<compile_context>
chip_gen: v7x
topology: tpu7x:2x2x1
jax: 0.10.2.dev20260603
libtpu: 0.0.44.dev20260713+nightly
codegen_flags: <defaults>
</compile_context>

<pallas_src>
import functools

import jax
import jax.numpy as jnp
import numpy as np
from jax import lax
from jax.experimental import pallas as pl
from jax.experimental.pallas import tpu as pltpu
from jax.experimental.pallas import tpu_sc as plsc

_B = 32
_T = 160000
_NR = 2 * _B
_NW = 32
_RPW = _NR // _NW
_CS = 16000
_CPR = _T // _CS
_NCH = _RPW * _CPR
_TCH = _NCH + _CPR
_D = 8
_LAG = 4


def _np_threefry2x32(keypair, count):
    x0 = np.uint32(count[0]).copy()
    x1 = np.uint32(count[1]).copy()
    ks0, ks1 = np.uint32(keypair[0]), np.uint32(keypair[1])
    ks2 = np.uint32(0x1BD11BDA) ^ ks0 ^ ks1

    def rotl(x, d):
        return (x << np.uint32(d)) | (x >> np.uint32(32 - d))

    rotations = [(13, 15, 26, 6), (17, 29, 16, 24)]
    x0 = (x0 + ks0).astype(np.uint32)
    x1 = (x1 + ks1).astype(np.uint32)
    ks = (ks1, ks2, ks0)
    for i in range(5):
        for r in rotations[i % 2]:
            x0 = (x0 + x1).astype(np.uint32)
            x1 = rotl(x1, r)
            x1 = x0 ^ x1
        x0 = (x0 + ks[i % 3]).astype(np.uint32)
        x1 = (x1 + ks[(i + 1) % 3] + np.uint32(i + 1)).astype(np.uint32)
    return x0, x1


def _np_uniform(seed, n):
    key = (np.uint32(0), np.uint32(seed))
    c1 = np.zeros(n, dtype=np.uint32)
    c2 = np.arange(n, dtype=np.uint32)
    b1, b2 = _np_threefry2x32(key, (c1, c2))
    bits = b1 ^ b2
    floats = ((bits >> np.uint32(9)) | np.uint32(0x3F800000)).view(np.float32)
    return floats - np.float32(1.0)


_PERM = np.argsort(_np_uniform(42, _B), kind="stable")
_SRC_ROWS = np.concatenate([_PERM, np.arange(_B, _NR)]).astype(np.int32)
_RIDX = np.zeros((_NW, 16), np.int32)
_RIDX[:, :_RPW] = _SRC_ROWS.reshape(_NW, _RPW)

_mesh = plsc.VectorSubcoreMesh(core_axis_name="c", subcore_axis_name="s")


@functools.partial(
    pl.kernel,
    out_type=(
        jax.ShapeDtypeStruct((_NR * _T,), jnp.float32),
        jax.ShapeDtypeStruct((_B * _T,), jnp.float32),
    ),
    mesh=_mesh,
    scratch_types=[
        pltpu.VMEM((16,), jnp.int32),
        *([pltpu.VMEM((_CS,), jnp.float32)] * _D),
        *([pltpu.SemaphoreType.DMA] * _D),
        *([pltpu.SemaphoreType.DMA] * _D),
    ],
)
def _remix_copy(src, tgt, ridx, out, tout, idx_v, *scratch):
    bufs = scratch[:_D]
    gsems = scratch[_D : 2 * _D]
    ssems = scratch[2 * _D :]
    wid = lax.axis_index("s") * 2 + lax.axis_index("c")
    pltpu.sync_copy(ridx.at[wid], idx_v)
    v = idx_v[...]
    src_off = [v[j] * _T for j in range(_RPW)]
    dst_base = wid * _RPW * _T
    tgt_base = wid * _T

    def gather(k):
        if k < _NCH:
            j, c = divmod(k, _CPR)
            ref = src.at[pl.ds(src_off[j] + c * _CS, _CS)]
        else:
            c = k - _NCH
            ref = tgt.at[pl.ds(tgt_base + c * _CS, _CS)]
        return pltpu.async_copy(ref, bufs[k % _D], gsems[k % _D])

    def scatter(k):
        if k < _NCH:
            ref = out.at[pl.ds(dst_base + k * _CS, _CS)]
        else:
            c = k - _NCH
            ref = tout.at[pl.ds(tgt_base + c * _CS, _CS)]
        return pltpu.async_copy(bufs[k % _D], ref, ssems[k % _D])

    gd = [None] * _TCH
    sd = [None] * _TCH
    for k in range(_TCH):
        if k >= _D:
            sd[k - _D].wait()
        gd[k] = gather(k)
        if k >= _LAG:
            gd[k - _LAG].wait()
            sd[k - _LAG] = scatter(k - _LAG)
    for k in range(_TCH - _LAG, _TCH):
        gd[k].wait()
        sd[k] = scatter(k)
    for k in range(_TCH - _D, _TCH):
        sd[k].wait()


def kernel(sources, target):
    src = sources.reshape(_NR * _T)
    tgt = target.reshape(_B * _T)
    out, tout = _remix_copy(src, tgt, jnp.asarray(_RIDX))
    return out.reshape(2, _B, 1, _T), tout.reshape(_B, 1, _T)

# --- scband reference (transcript-rebuilt; emitter-appended) ---
"""Pipeline reference for scband-remix-30666066493744 (READ-ONLY COPY).

The authoritative reference and input builder live on the scoring server;
editing this copy changes nothing except your own understanding.
"""

import jax, jax.numpy as jnp
import numpy as np


def setup_inputs(seed: int = 0) -> dict:
    key = jax.random.key(seed)
    k1, k2 = jax.random.split(key)
    sources = jax.random.normal(k1, (2, 32, 1, 160000), dtype=jnp.float32)
    target = jax.random.normal(k2, (32, 1, 160000), dtype=jnp.float32)
    return {"sources": sources, "target": target}


def reference(sources, target):
    # Remix: permute the noise component across the batch, keep clean fixed.
    noise = sources[0]
    clean_source = sources[1]
    bs = noise.shape[0]
    perm_key = jax.random.key(42)
    perm = jnp.argsort(jax.random.uniform(perm_key, (bs,)), axis=0)
    out = (jnp.stack([noise[perm], clean_source]), target)
    return out

if __name__ == "__main__":
    import jax
    _d = setup_inputs()
    print(jax.jit(kernel)(*tuple(_d.values())))

</pallas_src>

<mosaic_0001>
#map = affine_map<(d0, d1) -> (0)>
#map1 = affine_map<(d0, d1) -> (0, 0)>
module attributes {stable_mosaic.version = 14 : i64} {
  func.func @_remix_copy(%arg0: i32, %arg1: i32, %arg2: memref<10240000xf32, #tpu.memory_space<hbm>>, %arg3: memref<5120000xf32, #tpu.memory_space<hbm>>, %arg4: memref<32x16xi32, #tpu.memory_space<hbm>>, %arg5: memref<10240000xf32, #tpu.memory_space<hbm>>, %arg6: memref<5120000xf32, #tpu.memory_space<hbm>>, %arg7: memref<16xi32, #tpu.memory_space<vmem>>, %arg8: memref<16000xf32, #tpu.memory_space<vmem>>, %arg9: memref<16000xf32, #tpu.memory_space<vmem>>, %arg10: memref<16000xf32, #tpu.memory_space<vmem>>, %arg11: memref<16000xf32, #tpu.memory_space<vmem>>, %arg12: memref<16000xf32, #tpu.memory_space<vmem>>, %arg13: memref<16000xf32, #tpu.memory_space<vmem>>, %arg14: memref<16000xf32, #tpu.memory_space<vmem>>, %arg15: memref<16000xf32, #tpu.memory_space<vmem>>, %arg16: memref<!tpu.dma_semaphore, #tpu.memory_space<semaphore_mem>>, %arg17: memref<!tpu.dma_semaphore, #tpu.memory_space<semaphore_mem>>, %arg18: memref<!tpu.dma_semaphore, #tpu.memory_space<semaphore_mem>>, %arg19: memref<!tpu.dma_semaphore, #tpu.memory_space<semaphore_mem>>, %arg20: memref<!tpu.dma_semaphore, #tpu.memory_space<semaphore_mem>>, %arg21: memref<!tpu.dma_semaphore, #tpu.memory_space<semaphore_mem>>, %arg22: memref<!tpu.dma_semaphore, #tpu.memory_space<semaphore_mem>>, %arg23: memref<!tpu.dma_semaphore, #tpu.memory_space<semaphore_mem>>, %arg24: memref<!tpu.dma_semaphore, #tpu.memory_space<semaphore_mem>>, %arg25: memref<!tpu.dma_semaphore, #tpu.memory_space<semaphore_mem>>, %arg26: memref<!tpu.dma_semaphore, #tpu.memory_space<semaphore_mem>>, %arg27: memref<!tpu.dma_semaphore, #tpu.memory_space<semaphore_mem>>, %arg28: memref<!tpu.dma_semaphore, #tpu.memory_space<semaphore_mem>>, %arg29: memref<!tpu.dma_semaphore, #tpu.memory_space<semaphore_mem>>, %arg30: memref<!tpu.dma_semaphore, #tpu.memory_space<semaphore_mem>>, %arg31: memref<!tpu.dma_semaphore, #tpu.memory_space<semaphore_mem>>) attributes {dimension_semantics = [#tpu.dimension_semantics<core_parallel>, #tpu.dimension_semantics<subcore_parallel>], iteration_bounds = array<i64: 2, 16>, scalar_prefetch = 0 : i64, scratch_operands = 25 : i64, tpu.core_type = #tpu.core_type<sc_vector_subcore>, window_params = [{transform_indices = #map}, {transform_indices = #map}, {transform_indices = #map1}, {transform_indices = #map}, {transform_indices = #map}]} {
    %mul3A = arith.constant 2 : i32
    %mul3A_0 = arith.muli %arg1, %mul3A : i32
    %add3A = arith.addi %mul3A_0, %arg0 : i32
    "tpu.region"() ({
      %run_scoped3A = tpu.sem_alloc : memref<!tpu.dma_semaphore, #tpu.memory_space<semaphore_mem>>
      %dma_start3A_373 = arith.constant 0 : i32
      %dma_start3A_374 = tpu.memref_slice %arg4[%add3A, %dma_start3A_373] : memref<32x16xi32, #tpu.memory_space<hbm>> -> memref<1x16xi32, #tpu.memory_space<hbm>>
      %dma_start3A_375 = tpu.memref_squeeze %dma_start3A_374 : memref<1x16xi32, #tpu.memory_space<hbm>> -> memref<16xi32, #tpu.memory_space<hbm>>
      %dma_start3A_376 = arith.constant 0 : i32
      %dma_start3A_377 = tpu.memref_slice %arg4[%add3A, %dma_start3A_376] : memref<32x16xi32, #tpu.memory_space<hbm>> -> memref<1x16xi32, #tpu.memory_space<hbm>>
      %dma_start3A_378 = tpu.memref_squeeze %dma_start3A_377 : memref<1x16xi32, #tpu.memory_space<hbm>> -> memref<16xi32, #tpu.memory_space<hbm>>
      tpu.enqueue_dma source(%dma_start3A_378 : memref<16xi32, #tpu.memory_space<hbm>>) target(%arg7 : memref<16xi32, #tpu.memory_space<vmem>>) target_semaphore(%run_scoped3A : memref<!tpu.dma_semaphore, #tpu.memory_space<semaphore_mem>>)
      %dma_wait3A_379 = arith.constant 0 : i32
      %dma_wait3A_380 = tpu.memref_slice %arg4[%add3A, %dma_wait3A_379] : memref<32x16xi32, #tpu.memory_space<hbm>> -> memref<1x16xi32, #tpu.memory_space<hbm>>
      %dma_wait3A_381 = tpu.memref_squeeze %dma_wait3A_380 : memref<1x16xi32, #tpu.memory_space<hbm>> -> memref<16xi32, #tpu.memory_space<hbm>>
      %dma_wait3A_382 = arith.constant 0 : i32
      %dma_wait3A_383 = tpu.memref_slice %arg4[%add3A, %dma_wait3A_382] : memref<32x16xi32, #tpu.memory_space<hbm>> -> memref<1x16xi32, #tpu.memory_space<hbm>>
      %dma_wait3A_384 = tpu.memref_squeeze %dma_wait3A_383 : memref<1x16xi32, #tpu.memory_space<hbm>> -> memref<16xi32, #tpu.memory_space<hbm>>
      tpu.wait_dma2 semaphore(%run_scoped3A : memref<!tpu.dma_semaphore, #tpu.memory_space<semaphore_mem>>) src(%dma_wait3A_384 : memref<16xi32, #tpu.memory_space<hbm>>) dst(%arg7 : memref<16xi32, #tpu.memory_space<vmem>>)
      tpu.yield
    }) : () -> ()
    %get3A = arith.constant 0 : index
    %get3A_1 = tpu.vector_load %arg7[%get3A] {strides = array<i32>} : memref<16xi32, #tpu.memory_space<vmem>>, vector<16xi32>,
    %get3A_2 = vector.shape_cast %get3A_1 : vector<16xi32> to vector<16xi32>
    %slice3A = vector.extract_strided_slice %get3A_2 {offsets = [0], sizes = [1], strides = [1]} : vector<16xi32> to vector<1xi32>
    %squeeze3A = vector.extract %slice3A[0] : i32 from vector<1xi32>
    %mul3A_3 = arith.constant 160000 : i32
    %mul3A_4 = arith.muli %squeeze3A, %mul3A_3 : i32
    %slice3A_5 = vector.extract_strided_slice %get3A_2 {offsets = [1], sizes = [1], strides = [1]} : vector<16xi32> to vector<1xi32>
    %squeeze3A_6 = vector.extract %slice3A_5[0] : i32 from vector<1xi32>
    %mul3A_7 = arith.constant 160000 : i32
    %mul3A_8 = arith.muli %squeeze3A_6, %mul3A_7 : i32
    %mul3A_9 = arith.constant 2 : i32
    %mul3A_10 = arith.muli %add3A, %mul3A_9 : i32
    %mul3A_11 = arith.constant 160000 : i32
    %mul3A_12 = arith.muli %mul3A_10, %mul3A_11 : i32
    %mul3A_13 = arith.constant 160000 : i32
    %mul3A_14 = arith.muli %add3A, %mul3A_13 : i32
    %add3A_15 = arith.constant 0 : i32
    %add3A_16 = arith.addi %mul3A_4, %add3A_15 : i32
    %dma_start3A = tpu.memref_slice %arg2[%add3A_16] : memref<10240000xf32, #tpu.memory_space<hbm>> -> memref<16000xf32, #tpu.memory_space<hbm>>
    %dma_start3A_17 = tpu.memref_slice %arg2[%add3A_16] : memref<10240000xf32, #tpu.memory_space<hbm>> -> memref<16000xf32, #tpu.memory_space<hbm>>
    tpu.enqueue_dma source(%dma_start3A_17 : memref<16000xf32, #tpu.memory_space<hbm>>) target(%arg8 : memref<16000xf32, #tpu.memory_space<vmem>>) target_semaphore(%arg16 : memref<!tpu.dma_semaphore, #tpu.memory_space<semaphore_mem>>)
    %add3A_18 = arith.constant 16000 : i32
    %add3A_19 = arith.addi %mul3A_4, %add3A_18 : i32
    %dma_start3A_20 = tpu.memref_slice %arg2[%add3A_19] : memref<10240000xf32, #tpu.memory_space<hbm>> -> memref<16000xf32, #tpu.memory_space<hbm>>
    %dma_start3A_21 = tpu.memref_slice %arg2[%add3A_19] : memref<10240000xf32, #tpu.memory_space<hbm>> -> memref<16000xf32, #tpu.memory_space<hbm>>
    tpu.enqueue_dma source(%dma_start3A_21 : memref<16000xf32, #tpu.memory_space<hbm>>) target(%arg9 : memref<16000xf32, #tpu.memory_space<vmem>>) target_semaphore(%arg17 : memref<!tpu.dma_semaphore, #tpu.memory_space<semaphore_mem>>)
    %add3A_22 = arith.constant 32000 : i32
    %add3A_23 = arith.addi %mul3A_4, %add3A_22 : i32
    %dma_start3A_24 = tpu.memref_slice %arg2[%add3A_23] : memref<10240000xf32, #tpu.memory_space<hbm>> -> memref<16000xf32, #tpu.memory_space<hbm>>
    %dma_start3A_25 = tpu.memref_slice %arg2[%add3A_23] : memref<10240000xf32, #tpu.memory_space<hbm>> -> memref<16000xf32, #tpu.memory_space<hbm>>
    tpu.enqueue_dma source(%dma_start3A_25 : memref<16000xf32, #tpu.memory_space<hbm>>) target(%arg10 : memref<16000xf32, #tpu.memory_space<vmem>>) target_semaphore(%arg18 : memref<!tpu.dma_semaphore, #tpu.memory_space<semaphore_mem>>)
    %add3A_26 = arith.constant 48000 : i32
    %add3A_27 = arith.addi %mul3A_4, %add3A_26 : i32
    %dma_start3A_28 = tpu.memref_slice %arg2[%add3A_27] : memref<10240000xf32, #tpu.memory_space<hbm>> -> memref<16000xf32, #tpu.memory_space<hbm>>
    %dma_start3A_29 = tpu.memref_slice %arg2[%add3A_27] : memref<10240000xf32, #tpu.memory_space<hbm>> -> memref<16000xf32, #tpu.memory_space<hbm>>
    tpu.enqueue_dma source(%dma_start3A_29 : memref<16000xf32, #tpu.memory_space<hbm>>) target(%arg11 : memref<16000xf32, #tpu.memory_space<vmem>>) target_semaphore(%arg19 : memref<!tpu.dma_semaphore, #tpu.memory_space<semaphore_mem>>)
    %add3A_30 = arith.constant 64000 : i32
    %add3A_31 = arith.addi %mul3A_4, %add3A_30 : i32
    %dma_start3A_32 = tpu.memref_slice %arg2[%add3A_31] : memref<10240000xf32, #tpu.memory_space<hbm>> -> memref<16000xf32, #tpu.memory_space<hbm>>
    %dma_start3A_33 = tpu.memref_slice %arg2[%add3A_31] : memref<10240000xf32, #tpu.memory_space<hbm>> -> memref<16000xf32, #tpu.memory_space<hbm>>
    tpu.enqueue_dma source(%dma_start3A_33 : memref<16000xf32, #tpu.memory_space<hbm>>) target(%arg12 : memref<16000xf32, #tpu.memory_space<vmem>>) target_semaphore(%arg20 : memref<!tpu.dma_semaphore, #tpu.memory_space<semaphore_mem>>)
    %dma_wait3A = tpu.memref_slice %arg2[%add3A_16] : memref<10240000xf32, #tpu.memory_space<hbm>> -> memref<16000xf32, #tpu.memory_space<hbm>>
    %dma_wait3A_34 = tpu.memref_slice %arg2[%add3A_16] : memref<10240000xf32, #tpu.memory_space<hbm>> -> memref<16000xf32, #tpu.memory_space<hbm>>
    tpu.wait_dma2 semaphore(%arg16 : memref<!tpu.dma_semaphore, #tpu.memory_space<semaphore_mem>>) src(%dma_wait3A_34 : memref<16000xf32, #tpu.memory_space<hbm>>) dst(%arg8 : memref<16000xf32, #tpu.memory_space<vmem>>)
    %add3A_35 = arith.constant 0 : i32
    %add3A_36 = arith.addi %mul3A_12, %add3A_35 : i32
    %dma_start3A_37 = tpu.memref_slice %arg5[%add3A_36] : memref<10240000xf32, #tpu.memory_space<hbm>> -> memref<16000xf32, #tpu.memory_space<hbm>>
    %dma_start3A_38 = tpu.memref_slice %arg5[%add3A_36] : memref<10240000xf32, #tpu.memory_space<hbm>> -> memref<16000xf32, #tpu.memory_space<hbm>>
    tpu.enqueue_dma source(%arg8 : memref<16000xf32, #tpu.memory_space<vmem>>) target(%dma_start3A_38 : memref<16000xf32, #tpu.memory_space<hbm>>) target_semaphore(%arg24 : memref<!tpu.dma_semaphore, #tpu.memory_space<semaphore_mem>>)
    %add3A_39 = arith.constant 80000 : i32
    %add3A_40 = arith.addi %mul3A_4, %add3A_39 : i32
    %dma_start3A_41 = tpu.memref_slice %arg2[%add3A_40] : memref<10240000xf32, #tpu.memory_space<hbm>> -> memref<16000xf32, #tpu.memory_space<hbm>>
    %dma_start3A_42 = tpu.memref_slice %arg2[%add3A_40] : memref<10240000xf32, #tpu.memory_space<hbm>> -> memref<16000xf32, #tpu.memory_space<hbm>>
    tpu.enqueue_dma source(%dma_start3A_42 : memref<16000xf32, #tpu.memory_space<hbm>>) target(%arg13 : memref<16000xf32, #tpu.memory_space<vmem>>) target_semaphore(%arg21 : memref<!tpu.dma_semaphore, #tpu.memory_space<semaphore_mem>>)
    %dma_wait3A_43 = tpu.memref_slice %arg2[%add3A_19] : memref<10240000xf32, #tpu.memory_space<hbm>> -> memref<16000xf32, #tpu.memory_space<hbm>>
    %dma_wait3A_44 = tpu.memref_slice %arg2[%add3A_19] : memref<10240000xf32, #tpu.memory_space<hbm>> -> memref<16000xf32, #tpu.memory_space<hbm>>
    tpu.wait_dma2 semaphore(%arg17 : memref<!tpu.dma_semaphore, #tpu.memory_space<semaphore_mem>>) src(%dma_wait3A_44 : memref<16000xf32, #tpu.memory_space<hbm>>) dst(%arg9 : memref<16000xf32, #tpu.memory_space<vmem>>)
    %add3A_45 = arith.constant 16000 : i32
    %add3A_46 = arith.addi %mul3A_12, %add3A_45 : i32
    %dma_start3A_47 = tpu.memref_slice %arg5[%add3A_46] : memref<10240000xf32, #tpu.memory_space<hbm>> -> memref<16000xf32, #tpu.memory_space<hbm>>
    %dma_start3A_48 = tpu.memref_slice %arg5[%add3A_46] : memref<10240000xf32, #tpu.memory_space<hbm>> -> memref<16000xf32, #tpu.memory_space<hbm>>
    tpu.enqueue_dma source(%arg9 : memref<16000xf32, #tpu.memory_space<vmem>>) target(%dma_start3A_48 : memref<16000xf32, #tpu.memory_space<hbm>>) target_semaphore(%arg25 : memref<!tpu.dma_semaphore, #tpu.memory_space<semaphore_mem>>)
    %add3A_49 = arith.constant 96000 : i32
    %add3A_50 = arith.addi %mul3A_4, %add3A_49 : i32
    %dma_start3A_51 = tpu.memref_slice %arg2[%add3A_50] : memref<10240000xf32, #tpu.memory_space<hbm>> -> memref<16000xf32, #tpu.memory_space<hbm>>
    %dma_start3A_52 = tpu.memref_slice %arg2[%add3A_50] : memref<10240000xf32, #tpu.memory_space<hbm>> -> memref<16000xf32, #tpu.memory_space<hbm>>
    tpu.enqueue_dma source(%dma_start3A_52 : memref<16000xf32, #tpu.memory_space<hbm>>) target(%arg14 : memref<16000xf32, #tpu.memory_space<vmem>>) target_semaphore(%arg22 : memref<!tpu.dma_semaphore, #tpu.memory_space<semaphore_mem>>)
    %dma_wait3A_53 = tpu.memref_slice %arg2[%add3A_23] : memref<10240000xf32, #tpu.memory_space<hbm>> -> memref<16000xf32, #tpu.memory_space<hbm>>
    %dma_wait3A_54 = tpu.memref_slice %arg2[%add3A_23] : memref<10240000xf32, #tpu.memory_space<hbm>> -> memref<16000xf32, #tpu.memory_space<hbm>>
    tpu.wait_dma2 semaphore(%arg18 : memref<!tpu.dma_semaphore, #tpu.memory_space<semaphore_mem>>) src(%dma_wait3A_54 : memref<16000xf32, #tpu.memory_space<hbm>>) dst(%arg10 : memref<16000xf32, #tpu.memory_space<vmem>>)
    %add3A_55 = arith.constant 32000 : i32
    %add3A_56 = arith.addi %mul3A_12, %add3A_55 : i32
    %dma_start3A_57 = tpu.memref_slice %arg5[%add3A_56] : memref<10240000xf32, #tpu.memory_space<hbm>> -> memref<16000xf32, #tpu.memory_space<hbm>>
    %dma_start3A_58 = tpu.memref_slice %arg5[%add3A_56] : memref<10240000xf32, #tpu.memory_space<hbm>> -> memref<16000xf32, #tpu.memory_space<hbm>>
    tpu.enqueue_dma source(%arg10 : memref<16000xf32, #tpu.memory_space<vmem>>) target(%dma_start3A_58 : memref<16000xf32, #tpu.memory_space<hbm>>) target_semaphore(%arg26 : memref<!tpu.dma_semaphore, #tpu.memory_space<semaphore_mem>>)
    %add3A_59 = arith.constant 112000 : i32
    %add3A_60 = arith.addi %mul3A_4, %add3A_59 : i32
    %dma_start3A_61 = tpu.memref_slice %arg2[%add3A_60] : memref<10240000xf32, #tpu.memory_space<hbm>> -> memref<16000xf32, #tpu.memory_space<hbm>>
    %dma_start3A_62 = tpu.memref_slice %arg2[%add3A_60] : memref<10240000xf32, #tpu.memory_space<hbm>> -> memref<16000xf32, #tpu.memory_space<hbm>>
    tpu.enqueue_dma source(%dma_start3A_62 : memref<16000xf32, #tpu.memory_space<hbm>>) target(%arg15 : memref<16000xf32, #tpu.memory_space<vmem>>) target_semaphore(%arg23 : memref<!tpu.dma_semaphore, #tpu.memory_space<semaphore_mem>>)
    %dma_wait3A_63 = tpu.memref_slice %arg2[%add3A_27] : memref<10240000xf32, #tpu.memory_space<hbm>> -> memref<16000xf32, #tpu.memory_space<hbm>>
    %dma_wait3A_64 = tpu.memref_slice %arg2[%add3A_27] : memref<10240000xf32, #tpu.memory_space<hbm>> -> memref<16000xf32, #tpu.memory_space<hbm>>
    tpu.wait_dma2 semaphore(%arg19 : memref<!tpu.dma_semaphore, #tpu.memory_space<semaphore_mem>>) src(%dma_wait3A_64 : memref<16000xf32, #tpu.memory_space<hbm>>) dst(%arg11 : memref<16000xf32, #tpu.memory_space<vmem>>)
    %add3A_65 = arith.constant 48000 : i32
    %add3A_66 = arith.addi %mul3A_12, %add3A_65 : i32
    %dma_start3A_67 = tpu.memref_slice %arg5[%add3A_66] : memref<10240000xf32, #tpu.memory_space<hbm>> -> memref<16000xf32, #tpu.memory_space<hbm>>
    %dma_start3A_68 = tpu.memref_slice %arg5[%add3A_66] : memref<10240000xf32, #tpu.memory_space<hbm>> -> memref<16000xf32, #tpu.memory_space<hbm>>
    tpu.enqueue_dma source(%arg11 : memref<16000xf32, #tpu.memory_space<vmem>>) target(%dma_start3A_68 : memref<16000xf32, #tpu.memory_space<hbm>>) target_semaphore(%arg27 : memref<!tpu.dma_semaphore, #tpu.memory_space<semaphore_mem>>)
    %dma_wait3A_69 = tpu.memref_slice %arg5[%add3A_36] : memref<10240000xf32, #tpu.memory_space<hbm>> -> memref<16000xf32, #tpu.memory_space<hbm>>
    %dma_wait3A_70 = tpu.memref_slice %arg5[%add3A_36] : memref<10240000xf32, #tpu.memory_space<hbm>> -> memref<16000xf32, #tpu.memory_space<hbm>>
    tpu.wait_dma2 semaphore(%arg24 : memref<!tpu.dma_semaphore, #tpu.memory_space<semaphore_mem>>) src(%arg8 : memref<16000xf32, #tpu.memory_space<vmem>>) dst(%dma_wait3A_70 : memref<16000xf32, #tpu.memory_space<hbm>>)
    %add3A_71 = arith.constant 128000 : i32
    %add3A_72 = arith.addi %mul3A_4, %add3A_71 : i32
    %dma_start3A_73 = tpu.memref_slice %arg2[%add3A_72] : memref<10240000xf32, #tpu.memory_space<hbm>> -> memref<16000xf32, #tpu.memory_space<hbm>>
    %dma_start3A_74 = tpu.memref_slice %arg2[%add3A_72] : memref<10240000xf32, #tpu.memory_space<hbm>> -> memref<16000xf32, #tpu.memory_space<hbm>>
    tpu.enqueue_dma source(%dma_start3A_74 : memref<16000xf32, #tpu.memory_space<hbm>>) target(%arg8 : memref<16000xf32, #tpu.memory_space<vmem>>) target_semaphore(%arg16 : memref<!tpu.dma_semaphore, #tpu.memory_space<semaphore_mem>>)
    %dma_wait3A_75 = tpu.memref_slice %arg2[%add3A_31] : memref<10240000xf32, #tpu.memory_space<hbm>> -> memref<16000xf32, #tpu.memory_space<hbm>>
    %dma_wait3A_76 = tpu.memref_slice %arg2[%add3A_31] : memref<10240000xf32, #tpu.memory_space<hbm>> -> memref<16000xf32, #tpu.memory_space<hbm>>
    tpu.wait_dma2 semaphore(%arg20 : memref<!tpu.dma_semaphore, #tpu.memory_space<semaphore_mem>>) src(%dma_wait3A_76 : memref<16000xf32, #tpu.memory_space<hbm>>) dst(%arg12 : memref<16000xf32, #tpu.memory_space<vmem>>)
    %add3A_77 = arith.constant 64000 : i32
    %add3A_78 = arith.addi %mul3A_12, %add3A_77 : i32
    %dma_start3A_79 = tpu.memref_slice %arg5[%add3A_78] : memref<10240000xf32, #tpu.memory_space<hbm>> -> memref<16000xf32, #tpu.memory_space<hbm>>
    %dma_start3A_80 = tpu.memref_slice %arg5[%add3A_78] : memref<10240000xf32, #tpu.memory_space<hbm>> -> memref<16000xf32, #tpu.memory_space<hbm>>
    tpu.enqueue_dma source(%arg12 : memref<16000xf32, #tpu.memory_space<vmem>>) target(%dma_start3A_80 : memref<16000xf32, #tpu.memory_space<hbm>>) target_semaphore(%arg28 : memref<!tpu.dma_semaphore, #tpu.memory_space<semaphore_mem>>)
    %dma_wait3A_81 = tpu.memref_slice %arg5[%add3A_46] : memref<10240000xf32, #tpu.memory_space<hbm>> -> memref<16000xf32, #tpu.memory_space<hbm>>
    %dma_wait3A_82 = tpu.memref_slice %arg5[%add3A_46] : memref<10240000xf32, #tpu.memory_space<hbm>> -> memref<16000xf32, #tpu.memory_space<hbm>>
    tpu.wait_dma2 semaphore(%arg25 : memref<!tpu.dma_semaphore, #tpu.memory_space<semaphore_mem>>) src(%arg9 : memref<16000xf32, #tpu.memory_space<vmem>>) dst(%dma_wait3A_82 : memref<16000xf32, #tpu.memory_space<hbm>>)
    %add3A_83 = arith.constant 144000 : i32
    %add3A_84 = arith.addi %mul3A_4, %add3A_83 : i32
    %dma_start3A_85 = tpu.memref_slice %arg2[%add3A_84] : memref<10240000xf32, #tpu.memory_space<hbm>> -> memref<16000xf32, #tpu.memory_space<hbm>>
    %dma_start3A_86 = tpu.memref_slice %arg2[%add3A_84] : memref<10240000xf32, #tpu.memory_space<hbm>> -> memref<16000xf32, #tpu.memory_space<hbm>>
    tpu.enqueue_dma source(%dma_start3A_86 : memref<16000xf32, #tpu.memory_space<hbm>>) target(%arg9 : memref<16000xf32, #tpu.memory_space<vmem>>) target_semaphore(%arg17 : memref<!tpu.dma_semaphore, #tpu.memory_space<semaphore_mem>>)
    %dma_wait3A_87 = tpu.memref_slice %arg2[%add3A_40] : memref<10240000xf32, #tpu.memory_space<hbm>> -> memref<16000xf32, #tpu.memory_space<hbm>>
    %dma_wait3A_88 = tpu.memref_slice %arg2[%add3A_40] : memref<10240000xf32, #tpu.memory_space<hbm>> -> memref<16000xf32, #tpu.memory_space<hbm>>
    tpu.wait_dma2 semaphore(%arg21 : memref<!tpu.dma_semaphore, #tpu.memory_space<semaphore_mem>>) src(%dma_wait3A_88 : memref<16000xf32, #tpu.memory_space<hbm>>) dst(%arg13 : memref<16000xf32, #tpu.memory_space<vmem>>)
    %add3A_89 = arith.constant 80000 : i32
    %add3A_90 = arith.addi %mul3A_12, %add3A_89 : i32
    %dma_start3A_91 = tpu.memref_slice %arg5[%add3A_90] : memref<10240000xf32, #tpu.memory_space<hbm>> -> memref<16000xf32, #tpu.memory_space<hbm>>
    %dma_start3A_92 = tpu.memref_slice %arg5[%add3A_90] : memref<10240000xf32, #tpu.memory_space<hbm>> -> memref<16000xf32, #tpu.memory_space<hbm>>
    tpu.enqueue_dma source(%arg13 : memref<16000xf32, #tpu.memory_space<vmem>>) target(%dma_start3A_92 : memref<16000xf32, #tpu.memory_space<hbm>>) target_semaphore(%arg29 : memref<!tpu.dma_semaphore, #tpu.memory_space<semaphore_mem>>)
    %dma_wait3A_93 = tpu.memref_slice %arg5[%add3A_56] : memref<10240000xf32, #tpu.memory_space<hbm>> -> memref<16000xf32, #tpu.memory_space<hbm>>
    %dma_wait3A_94 = tpu.memref_slice %arg5[%add3A_56] : memref<10240000xf32, #tpu.memory_space<hbm>> -> memref<16000xf32, #tpu.memory_space<hbm>>
    tpu.wait_dma2 semaphore(%arg26 : memref<!tpu.dma_semaphore, #tpu.memory_space<semaphore_mem>>) src(%arg10 : memref<16000xf32, #tpu.memory_space<vmem>>) dst(%dma_wait3A_94 : memref<16000xf32, #tpu.memory_space<hbm>>)
    %add3A_95 = arith.constant 0 : i32
    %add3A_96 = arith.addi %mul3A_8, %add3A_95 : i32
    %dma_start3A_97 = tpu.memref_slice %arg2[%add3A_96] : memref<10240000xf32, #tpu.memory_space<hbm>> -> memref<16000xf32, #tpu.memory_space<hbm>>
    %dma_start3A_98 = tpu.memref_slice %arg2[%add3A_96] : memref<10240000xf32, #tpu.memory_space<hbm>> -> memref<16000xf32, #tpu.memory_space<hbm>>
    tpu.enqueue_dma source(%dma_start3A_98 : memref<16000xf32, #tpu.memory_space<hbm>>) target(%arg10 : memref<16000xf32, #tpu.memory_space<vmem>>) target_semaphore(%arg18 : memref<!tpu.dma_semaphore, #tpu.memory_space<semaphore_mem>>)
    %dma_wait3A_99 = tpu.memref_slice %arg2[%add3A_50] : memref<10240000xf32, #tpu.memory_space<hbm>> -> memref<16000xf32, #tpu.memory_space<hbm>>
    %dma_wait3A_100 = tpu.memref_slice %arg2[%add3A_50] : memref<10240000xf32, #tpu.memory_space<hbm>> -> memref<16000xf32, #tpu.memory_space<hbm>>
    tpu.wait_dma2 semaphore(%arg22 : memref<!tpu.dma_semaphore, #tpu.memory_space<semaphore_mem>>) src(%dma_wait3A_100 : memref<16000xf32, #tpu.memory_space<hbm>>) dst(%arg14 : memref<16000xf32, #tpu.memory_space<vmem>>)
    %add3A_101 = arith.constant 96000 : i32
    %add3A_102 = arith.addi %mul3A_12, %add3A_101 : i32
    %dma_start3A_103 = tpu.memref_slice %arg5[%add3A_102] : memref<10240000xf32, #tpu.memory_space<hbm>> -> memref<16000xf32, #tpu.memory_space<hbm>>
    %dma_start3A_104 = tpu.memref_slice %arg5[%add3A_102] : memref<10240000xf32, #tpu.memory_space<hbm>> -> memref<16000xf32, #tpu.memory_space<hbm>>
    tpu.enqueue_dma source(%arg14 : memref<16000xf32, #tpu.memory_space<vmem>>) target(%dma_start3A_104 : memref<16000xf32, #tpu.memory_space<hbm>>) target_semaphore(%arg30 : memref<!tpu.dma_semaphore, #tpu.memory_space<semaphore_mem>>)
    %dma_wait3A_105 = tpu.memref_slice %arg5[%add3A_66] : memref<10240000xf32, #tpu.memory_space<hbm>> -> memref<16000xf32, #tpu.memory_space<hbm>>
    %dma_wait3A_106 = tpu.memref_slice %arg5[%add3A_66] : memref<10240000xf32, #tpu.memory_space<hbm>> -> memref<16000xf32, #tpu.memory_space<hbm>>
    tpu.wait_dma2 semaphore(%arg27 : memref<!tpu.dma_semaphore, #tpu.memory_space<semaphore_mem>>) src(%arg11 : memref<16000xf32, #tpu.memory_space<vmem>>) dst(%dma_wait3A_106 : memref<16000xf32, #tpu.memory_space<hbm>>)
    %add3A_107 = arith.constant 16000 : i32
    %add3A_108 = arith.addi %mul3A_8, %add3A_107 : i32
    %dma_start3A_109 = tpu.memref_slice %arg2[%add3A_108] : memref<10240000xf32, #tpu.memory_space<hbm>> -> memref<16000xf32, #tpu.memory_space<hbm>>
    %dma_start3A_110 = tpu.memref_slice %arg2[%add3A_108] : memref<10240000xf32, #tpu.memory_space<hbm>> -> memref<16000xf32, #tpu.memory_space<hbm>>
    tpu.enqueue_dma source(%dma_start3A_110 : memref<16000xf32, #tpu.memory_space<hbm>>) target(%arg11 : memref<16000xf32, #tpu.memory_space<vmem>>) target_semaphore(%arg19 : memref<!tpu.dma_semaphore, #tpu.memory_space<semaphore_mem>>)
    %dma_wait3A_111 = tpu.memref_slice %arg2[%add3A_60] : memref<10240000xf32, #tpu.memory_space<hbm>> -> memref<16000xf32, #tpu.memory_space<hbm>>
    %dma_wait3A_112 = tpu.memref_slice %arg2[%add3A_60] : memref<10240000xf32, #tpu.memory_space<hbm>> -> memref<16000xf32, #tpu.memory_space<hbm>>
    tpu.wait_dma2 semaphore(%arg23 : memref<!tpu.dma_semaphore, #tpu.memory_space<semaphore_mem>>) src(%dma_wait3A_112 : memref<16000xf32, #tpu.memory_space<hbm>>) dst(%arg15 : memref<16000xf32, #tpu.memory_space<vmem>>)
    %add3A_113 = arith.constant 112000 : i32
    %add3A_114 = arith.addi %mul3A_12, %add3A_113 : i32
    %dma_start3A_115 = tpu.memref_slice %arg5[%add3A_114] : memref<10240000xf32, #tpu.memory_space<hbm>> -> memref<16000xf32, #tpu.memory_space<hbm>>
    %dma_start3A_116 = tpu.memref_slice %arg5[%add3A_114] : memref<10240000xf32, #tpu.memory_space<hbm>> -> memref<16000xf32, #tpu.memory_space<hbm>>
    tpu.enqueue_dma source(%arg15 : memref<16000xf32, #tpu.memory_space<vmem>>) target(%dma_start3A_116 : memref<16000xf32, #tpu.memory_space<hbm>>) target_semaphore(%arg31 : memref<!tpu.dma_semaphore, #tpu.memory_space<semaphore_mem>>)
    %dma_wait3A_117 = tpu.memref_slice %arg5[%add3A_78] : memref<10240000xf32, #tpu.memory_space<hbm>> -> memref<16000xf32, #tpu.memory_space<hbm>>
    %dma_wait3A_118 = tpu.memref_slice %arg5[%add3A_78] : memref<10240000xf32, #tpu.memory_space<hbm>> -> memref<16000xf32, #tpu.memory_space<hbm>>
    tpu.wait_dma2 semaphore(%arg28 : memref<!tpu.dma_semaphore, #tpu.memory_space<semaphore_mem>>) src(%arg12 : memref<16000xf32, #tpu.memory_space<vmem>>) dst(%dma_wait3A_118 : memref<16000xf32, #tpu.memory_space<hbm>>)
    %add3A_119 = arith.constant 32000 : i32
    %add3A_120 = arith.addi %mul3A_8, %add3A_119 : i32
    %dma_start3A_121 = tpu.memref_slice %arg2[%add3A_120] : memref<10240000xf32, #tpu.memory_space<hbm>> -> memref<16000xf32, #tpu.memory_space<hbm>>
    %dma_start3A_122 = tpu.memref_slice %arg2[%add3A_120] : memref<10240000xf32, #tpu.memory_space<hbm>> -> memref<16000xf32, #tpu.memory_space<hbm>>
    tpu.enqueue_dma source(%dma_start3A_122 : memref<16000xf32, #tpu.memory_space<hbm>>) target(%arg12 : memref<16000xf32, #tpu.memory_space<vmem>>) target_semaphore(%arg20 : memref<!tpu.dma_semaphore, #tpu.memory_space<semaphore_mem>>)
    %dma_wait3A_123 = tpu.memref_slice %arg2[%add3A_72] : memref<10240000xf32, #tpu.memory_space<hbm>> -> memref<16000xf32, #tpu.memory_space<hbm>>
    %dma_wait3A_124 = tpu.memref_slice %arg2[%add3A_72] : memref<10240000xf32, #tpu.memory_space<hbm>> -> memref<16000xf32, #tpu.memory_space<hbm>>
    tpu.wait_dma2 semaphore(%arg16 : memref<!tpu.dma_semaphore, #tpu.memory_space<semaphore_mem>>) src(%dma_wait3A_124 : memref<16000xf32, #tpu.memory_space<hbm>>) dst(%arg8 : memref<16000xf32, #tpu.memory_space<vmem>>)
    %add3A_125 = arith.constant 128000 : i32
    %add3A_126 = arith.addi %mul3A_12, %add3A_125 : i32
    %dma_start3A_127 = tpu.memref_slice %arg5[%add3A_126] : memref<10240000xf32, #tpu.memory_space<hbm>> -> memref<16000xf32, #tpu.memory_space<hbm>>
    %dma_start3A_128 = tpu.memref_slice %arg5[%add3A_126] : memref<10240000xf32, #tpu.memory_space<hbm>> -> memref<16000xf32, #tpu.memory_space<hbm>>
    tpu.enqueue_dma source(%arg8 : memref<16000xf32, #tpu.memory_space<vmem>>) target(%dma_start3A_128 : memref<16000xf32, #tpu.memory_space<hbm>>) target_semaphore(%arg24 : memref<!tpu.dma_semaphore, #tpu.memory_space<semaphore_mem>>)
    %dma_wait3A_129 = tpu.memref_slice %arg5[%add3A_90] : memref<10240000xf32, #tpu.memory_space<hbm>> -> memref<16000xf32, #tpu.memory_space<hbm>>
    %dma_wait3A_130 = tpu.memref_slice %arg5[%add3A_90] : memref<10240000xf32, #tpu.memory_space<hbm>> -> memref<16000xf32, #tpu.memory_space<hbm>>
    tpu.wait_dma2 semaphore(%arg29 : memref<!tpu.dma_semaphore, #tpu.memory_space<semaphore_mem>>) src(%arg13 : memref<16000xf32, #tpu.memory_space<vmem>>) dst(%dma_wait3A_130 : memref<16000xf32, #tpu.memory_space<hbm>>)
    %add3A_131 = arith.constant 48000 : i32
    %add3A_132 = arith.addi %mul3A_8, %add3A_131 : i32
    %dma_start3A_133 = tpu.memref_slice %arg2[%add3A_132] : memref<10240000xf32, #tpu.memory_space<hbm>> -> memref<16000xf32, #tpu.memory_space<hbm>>
    %dma_start3A_134 = tpu.memref_slice %arg2[%add3A_132] : memref<10240000xf32, #tpu.memory_space<hbm>> -> memref<16000xf32, #tpu.memory_space<hbm>>
    tpu.enqueue_dma source(%dma_start3A_134 : memref<16000xf32, #tpu.memory_space<hbm>>) target(%arg13 : memref<16000xf32, #tpu.memory_space<vmem>>) target_semaphore(%arg21 : memref<!tpu.dma_semaphore, #tpu.memory_space<semaphore_mem>>)
    %dma_wait3A_135 = tpu.memref_slice %arg2[%add3A_84] : memref<10240000xf32, #tpu.memory_space<hbm>> -> memref<16000xf32, #tpu.memory_space<hbm>>
    %dma_wait3A_136 = tpu.memref_slice %arg2[%add3A_84] : memref<10240000xf32, #tpu.memory_space<hbm>> -> memref<16000xf32, #tpu.memory_space<hbm>>
    tpu.wait_dma2 semaphore(%arg17 : memref<!tpu.dma_semaphore, #tpu.memory_space<semaphore_mem>>) src(%dma_wait3A_136 : memref<16000xf32, #tpu.memory_space<hbm>>) dst(%arg9 : memref<16000xf32, #tpu.memory_space<vmem>>)
    %add3A_137 = arith.constant 144000 : i32
    %add3A_138 = arith.addi %mul3A_12, %add3A_137 : i32
    %dma_start3A_139 = tpu.memref_slice %arg5[%add3A_138] : memref<10240000xf32, #tpu.memory_space<hbm>> -> memref<16000xf32, #tpu.memory_space<hbm>>
    %dma_start3A_140 = tpu.memref_slice %arg5[%add3A_138] : memref<10240000xf32, #tpu.memory_space<hbm>> -> memref<16000xf32, #tpu.memory_space<hbm>>
    tpu.enqueue_dma source(%arg9 : memref<16000xf32, #tpu.memory_space<vmem>>) target(%dma_start3A_140 : memref<16000xf32, #tpu.memory_space<hbm>>) target_semaphore(%arg25 : memref<!tpu.dma_semaphore, #tpu.memory_space<semaphore_mem>>)
    %dma_wait3A_141 = tpu.memref_slice %arg5[%add3A_102] : memref<10240000xf32, #tpu.memory_space<hbm>> -> memref<16000xf32, #tpu.memory_space<hbm>>
    %dma_wait3A_142 = tpu.memref_slice %arg5[%add3A_102] : memref<10240000xf32, #tpu.memory_space<hbm>> -> memref<16000xf32, #tpu.memory_space<hbm>>
    tpu.wait_dma2 semaphore(%arg30 : memref<!tpu.dma_semaphore, #tpu.memory_space<semaphore_mem>>) src(%arg14 : memref<16000xf32, #tpu.memory_space<vmem>>) dst(%dma_wait3A_142 : memref<16000xf32, #tpu.memory_space<hbm>>)
    %add3A_143 = arith.constant 64000 : i32
    %add3A_144 = arith.addi %mul3A_8, %add3A_143 : i32
    %dma_start3A_145 = tpu.memref_slice %arg2[%add3A_144] : memref<10240000xf32, #tpu.memory_space<hbm>> -> memref<16000xf32, #tpu.memory_space<hbm>>
    %dma_start3A_146 = tpu.memref_slice %arg2[%add3A_144] : memref<10240000xf32, #tpu.memory_space<hbm>> -> memref<16000xf32, #tpu.memory_space<hbm>>
    tpu.enqueue_dma source(%dma_start3A_146 : memref<16000xf32, #tpu.memory_space<hbm>>) target(%arg14 : memref<16000xf32, #tpu.memory_space<vmem>>) target_semaphore(%arg22 : memref<!tpu.dma_semaphore, #tpu.memory_space<semaphore_mem>>)
    %dma_wait3A_147 = tpu.memref_slice %arg2[%add3A_96] : memref<10240000xf32, #tpu.memory_space<hbm>> -> memref<16000xf32, #tpu.memory_space<hbm>>
    %dma_wait3A_148 = tpu.memref_slice %arg2[%add3A_96] : memref<10240000xf32, #tpu.memory_space<hbm>> -> memref<16000xf32, #tpu.memory_space<hbm>>
    tpu.wait_dma2 semaphore(%arg18 : memref<!tpu.dma_semaphore, #tpu.memory_space<semaphore_mem>>) src(%dma_wait3A_148 : memref<16000xf32, #tpu.memory_space<hbm>>) dst(%arg10 : memref<16000xf32, #tpu.memory_space<vmem>>)
    %add3A_149 = arith.constant 160000 : i32
    %add3A_150 = arith.addi %mul3A_12, %add3A_149 : i32
    %dma_start3A_151 = tpu.memref_slice %arg5[%add3A_150] : memref<10240000xf32, #tpu.memory_space<hbm>> -> memref<16000xf32, #tpu.memory_space<hbm>>
    %dma_start3A_152 = tpu.memref_slice %arg5[%add3A_150] : memref<10240000xf32, #tpu.memory_space<hbm>> -> memref<16000xf32, #tpu.memory_space<hbm>>
    tpu.enqueue_dma source(%arg10 : memref<16000xf32, #tpu.memory_space<vmem>>) target(%dma_start3A_152 : memref<16000xf32, #tpu.memory_space<hbm>>) target_semaphore(%arg26 : memref<!tpu.dma_semaphore, #tpu.memory_space<semaphore_mem>>)
    %dma_wait3A_153 = tpu.memref_slice %arg5[%add3A_114] : memref<10240000xf32, #tpu.memory_space<hbm>> -> memref<16000xf32, #tpu.memory_space<hbm>>
    %dma_wait3A_154 = tpu.memref_slice %arg5[%add3A_114] : memref<10240000xf32, #tpu.memory_space<hbm>> -> memref<16000xf32, #tpu.memory_space<hbm>>
    tpu.wait_dma2 semaphore(%arg31 : memref<!tpu.dma_semaphore, #tpu.memory_space<semaphore_mem>>) src(%arg15 : memref<16000xf32, #tpu.memory_space<vmem>>) dst(%dma_wait3A_154 : memref<16000xf32, #tpu.memory_space<hbm>>)
    %add3A_155 = arith.constant 80000 : i32
    %add3A_156 = arith.addi %mul3A_8, %add3A_155 : i32
    %dma_start3A_157 = tpu.memref_slice %arg2[%add3A_156] : memref<10240000xf32, #tpu.memory_space<hbm>> -> memref<16000xf32, #tpu.memory_space<hbm>>
    %dma_start3A_158 = tpu.memref_slice %arg2[%add3A_156] : memref<10240000xf32, #tpu.memory_space<hbm>> -> memref<16000xf32, #tpu.memory_space<hbm>>
    tpu.enqueue_dma source(%dma_start3A_158 : memref<16000xf32, #tpu.memory_space<hbm>>) target(%arg15 : memref<16000xf32, #tpu.memory_space<vmem>>) target_semaphore(%arg23 : memref<!tpu.dma_semaphore, #tpu.memory_space<semaphore_mem>>)
    %dma_wait3A_159 = tpu.memref_slice %arg2[%add3A_108] : memref<10240000xf32, #tpu.memory_space<hbm>> -> memref<16000xf32, #tpu.memory_space<hbm>>
    %dma_wait3A_160 = tpu.memref_slice %arg2[%add3A_108] : memref<10240000xf32, #tpu.memory_space<hbm>> -> memref<16000xf32, #tpu.memory_space<hbm>>
    tpu.wait_dma2 semaphore(%arg19 : memref<!tpu.dma_semaphore, #tpu.memory_space<semaphore_mem>>) src(%dma_wait3A_160 : memref<16000xf32, #tpu.memory_space<hbm>>) dst(%arg11 : memref<16000xf32, #tpu.memory_space<vmem>>)
    %add3A_161 = arith.constant 176000 : i32
    %add3A_162 = arith.addi %mul3A_12, %add3A_161 : i32
    %dma_start3A_163 = tpu.memref_slice %arg5[%add3A_162] : memref<10240000xf32, #tpu.memory_space<hbm>> -> memref<16000xf32, #tpu.memory_space<hbm>>
    %dma_start3A_164 = tpu.memref_slice %arg5[%add3A_162] : memref<10240000xf32, #tpu.memory_space<hbm>> -> memref<16000xf32, #tpu.memory_space<hbm>>
    tpu.enqueue_dma source(%arg11 : memref<16000xf32, #tpu.memory_space<vmem>>) target(%dma_start3A_164 : memref<16000xf32, #tpu.memory_space<hbm>>) target_semaphore(%arg27 : memref<!tpu.dma_semaphore, #tpu.memory_space<semaphore_mem>>)
    %dma_wait3A_165 = tpu.memref_slice %arg5[%add3A_126] : memref<10240000xf32, #tpu.memory_space<hbm>> -> memref<16000xf32, #tpu.memory_space<hbm>>
    %dma_wait3A_166 = tpu.memref_slice %arg5[%add3A_126] : memref<10240000xf32, #tpu.memory_space<hbm>> -> memref<16000xf32, #tpu.memory_space<hbm>>
    tpu.wait_dma2 semaphore(%arg24 : memref<!tpu.dma_semaphore, #tpu.memory_space<semaphore_mem>>) src(%arg8 : memref<16000xf32, #tpu.memory_space<vmem>>) dst(%dma_wait3A_166 : memref<16000xf32, #tpu.memory_space<hbm>>)
    %add3A_167 = arith.constant 96000 : i32
    %add3A_168 = arith.addi %mul3A_8, %add3A_167 : i32
    %dma_start3A_169 = tpu.memref_slice %arg2[%add3A_168] : memref<10240000xf32, #tpu.memory_space<hbm>> -> memref<16000xf32, #tpu.memory_space<hbm>>
    %dma_start3A_170 = tpu.memref_slice %arg2[%add3A_168] : memref<10240000xf32, #tpu.memory_space<hbm>> -> memref<16000xf32, #tpu.memory_space<hbm>>
    tpu.enqueue_dma source(%dma_start3A_170 : memref<16000xf32, #tpu.memory_space<hbm>>) target(%arg8 : memref<16000xf32, #tpu.memory_space<vmem>>) target_semaphore(%arg16 : memref<!tpu.dma_semaphore, #tpu.memory_space<semaphore_mem>>)
    %dma_wait3A_171 = tpu.memref_slice %arg2[%add3A_120] : memref<10240000xf32, #tpu.memory_space<hbm>> -> memref<16000xf32, #tpu.memory_space<hbm>>
    %dma_wait3A_172 = tpu.memref_slice %arg2[%add3A_120] : memref<10240000xf32, #tpu.memory_space<hbm>> -> memref<16000xf32, #tpu.memory_space<hbm>>
    tpu.wait_dma2 semaphore(%arg20 : memref<!tpu.dma_semaphore, #tpu.memory_space<semaphore_mem>>) src(%dma_wait3A_172 : memref<16000xf32, #tpu.memory_space<hbm>>) dst(%arg12 : memref<16000xf32, #tpu.memory_space<vmem>>)
    %add3A_173 = arith.constant 192000 : i32
    %add3A_174 = arith.addi %mul3A_12, %add3A_173 : i32
    %dma_start3A_175 = tpu.memref_slice %arg5[%add3A_174] : memref<10240000xf32, #tpu.memory_space<hbm>> -> memref<16000xf32, #tpu.memory_space<hbm>>
    %dma_start3A_176 = tpu.memref_slice %arg5[%add3A_174] : memref<10240000xf32, #tpu.memory_space<hbm>> -> memref<16000xf32, #tpu.memory_space<hbm>>
    tpu.enqueue_dma source(%arg12 : memref<16000xf32, #tpu.memory_space<vmem>>) target(%dma_start3A_176 : memref<16000xf32, #tpu.memory_space<hbm>>) target_semaphore(%arg28 : memref<!tpu.dma_semaphore, #tpu.memory_space<semaphore_mem>>)
    %dma_wait3A_177 = tpu.memref_slice %arg5[%add3A_138] : memref<10240000xf32, #tpu.memory_space<hbm>> -> memref<16000xf32, #tpu.memory_space<hbm>>
    %dma_wait3A_178 = tpu.memref_slice %arg5[%add3A_138] : memref<10240000xf32, #tpu.memory_space<hbm>> -> memref<16000xf32, #tpu.memory_space<hbm>>
    tpu.wait_dma2 semaphore(%arg25 : memref<!tpu.dma_semaphore, #tpu.memory_space<semaphore_mem>>) src(%arg9 : memref<16000xf32, #tpu.memory_space<vmem>>) dst(%dma_wait3A_178 : memref<16000xf32, #tpu.memory_space<hbm>>)
    %add3A_179 = arith.constant 112000 : i32
    %add3A_180 = arith.addi %mul3A_8, %add3A_179 : i32
    %dma_start3A_181 = tpu.memref_slice %arg2[%add3A_180] : memref<10240000xf32, #tpu.memory_space<hbm>> -> memref<16000xf32, #tpu.memory_space<hbm>>
    %dma_start3A_182 = tpu.memref_slice %arg2[%add3A_180] : memref<10240000xf32, #tpu.memory_space<hbm>> -> memref<16000xf32, #tpu.memory_space<hbm>>
    tpu.enqueue_dma source(%dma_start3A_182 : memref<16000xf32, #tpu.memory_space<hbm>>) target(%arg9 : memref<16000xf32, #tpu.memory_space<vmem>>) target_semaphore(%arg17 : memref<!tpu.dma_semaphore, #tpu.memory_space<semaphore_mem>>)
    %dma_wait3A_183 = tpu.memref_slice %arg2[%add3A_132] : memref<10240000xf32, #tpu.memory_space<hbm>> -> memref<16000xf32, #tpu.memory_space<hbm>>
    %dma_wait3A_184 = tpu.memref_slice %arg2[%add3A_132] : memref<10240000xf32, #tpu.memory_space<hbm>> -> memref<16000xf32, #tpu.memory_space<hbm>>
    tpu.wait_dma2 semaphore(%arg21 : memref<!tpu.dma_semaphore, #tpu.memory_space<semaphore_mem>>) src(%dma_wait3A_184 : memref<16000xf32, #tpu.memory_space<hbm>>) dst(%arg13 : memref<16000xf32, #tpu.memory_space<vmem>>)
    %add3A_185 = arith.constant 208000 : i32
    %add3A_186 = arith.addi %mul3A_12, %add3A_185 : i32
    %dma_start3A_187 = tpu.memref_slice %arg5[%add3A_186] : memref<10240000xf32, #tpu.memory_space<hbm>> -> memref<16000xf32, #tpu.memory_space<hbm>>
    %dma_start3A_188 = tpu.memref_slice %arg5[%add3A_186] : memref<10240000xf32, #tpu.memory_space<hbm>> -> memref<16000xf32, #tpu.memory_space<hbm>>
    tpu.enqueue_dma source(%arg13 : memref<16000xf32, #tpu.memory_space<vmem>>) target(%dma_start3A_188 : memref<16000xf32, #tpu.memory_space<hbm>>) target_semaphore(%arg29 : memref<!tpu.dma_semaphore, #tpu.memory_space<semaphore_mem>>)
    %dma_wait3A_189 = tpu.memref_slice %arg5[%add3A_150] : memref<10240000xf32, #tpu.memory_space<hbm>> -> memref<16000xf32, #tpu.memory_space<hbm>>
    %dma_wait3A_190 = tpu.memref_slice %arg5[%add3A_150] : memref<10240000xf32, #tpu.memory_space<hbm>> -> memref<16000xf32, #tpu.memory_space<hbm>>
    tpu.wait_dma2 semaphore(%arg26 : memref<!tpu.dma_semaphore, #tpu.memory_space<semaphore_mem>>) src(%arg10 : memref<16000xf32, #tpu.memory_space<vmem>>) dst(%dma_wait3A_190 : memref<16000xf32, #tpu.memory_space<hbm>>)
    %add3A_191 = arith.constant 128000 : i32
    %add3A_192 = arith.addi %mul3A_8, %add3A_191 : i32
    %dma_start3A_193 = tpu.memref_slice %arg2[%add3A_192] : memref<10240000xf32, #tpu.memory_space<hbm>> -> memref<16000xf32, #tpu.memory_space<hbm>>
    %dma_start3A_194 = tpu.memref_slice %arg2[%add3A_192] : memref<10240000xf32, #tpu.memory_space<hbm>> -> memref<16000xf32, #tpu.memory_space<hbm>>
    tpu.enqueue_dma source(%dma_start3A_194 : memref<16000xf32, #tpu.memory_space<hbm>>) target(%arg10 : memref<16000xf32, #tpu.memory_space<vmem>>) target_semaphore(%arg18 : memref<!tpu.dma_semaphore, #tpu.memory_space<semaphore_mem>>)
    %dma_wait3A_195 = tpu.memref_slice %arg2[%add3A_144] : memref<10240000xf32, #tpu.memory_space<hbm>> -> memref<16000xf32, #tpu.memory_space<hbm>>
    %dma_wait3A_196 = tpu.memref_slice %arg2[%add3A_144] : memref<10240000xf32, #tpu.memory_space<hbm>> -> memref<16000xf32, #tpu.memory_space<hbm>>
    tpu.wait_dma2 semaphore(%arg22 : memref<!tpu.dma_semaphore, #tpu.memory_space<semaphore_mem>>) src(%dma_wait3A_196 : memref<16000xf32, #tpu.memory_space<hbm>>) dst(%arg14 : memref<16000xf32, #tpu.memory_space<vmem>>)
    %add3A_197 = arith.constant 224000 : i32
    %add3A_198 = arith.addi %mul3A_12, %add3A_197 : i32
    %dma_start3A_199 = tpu.memref_slice %arg5[%add3A_198] : memref<10240000xf32, #tpu.memory_space<hbm>> -> memref<16000xf32, #tpu.memory_space<hbm>>
    %dma_start3A_200 = tpu.memref_slice %arg5[%add3A_198] : memref<10240000xf32, #tpu.memory_space<hbm>> -> memref<16000xf32, #tpu.memory_space<hbm>>
    tpu.enqueue_dma source(%arg14 : memref<16000xf32, #tpu.memory_space<vmem>>) target(%dma_start3A_200 : memref<16000xf32, #tpu.memory_space<hbm>>) target_semaphore(%arg30 : memref<!tpu.dma_semaphore, #tpu.memory_space<semaphore_mem>>)
    %dma_wait3A_201 = tpu.memref_slice %arg5[%add3A_162] : memref<10240000xf32, #tpu.memory_space<hbm>> -> memref<16000xf32, #tpu.memory_space<hbm>>
    %dma_wait3A_202 = tpu.memref_slice %arg5[%add3A_162] : memref<10240000xf32, #tpu.memory_space<hbm>> -> memref<16000xf32, #tpu.memory_space<hbm>>
    tpu.wait_dma2 semaphore(%arg27 : memref<!tpu.dma_semaphore, #tpu.memory_space<semaphore_mem>>) src(%arg11 : memref<16000xf32, #tpu.memory_space<vmem>>) dst(%dma_wait3A_202 : memref<16000xf32, #tpu.memory_space<hbm>>)
    %add3A_203 = arith.constant 144000 : i32
    %add3A_204 = arith.addi %mul3A_8, %add3A_203 : i32
    %dma_start3A_205 = tpu.memref_slice %arg2[%add3A_204] : memref<10240000xf32, #tpu.memory_space<hbm>> -> memref<16000xf32, #tpu.memory_space<hbm>>
    %dma_start3A_206 = tpu.memref_slice %arg2[%add3A_204] : memref<10240000xf32, #tpu.memory_space<hbm>> -> memref<16000xf32, #tpu.memory_space<hbm>>
    tpu.enqueue_dma source(%dma_start3A_206 : memref<16000xf32, #tpu.memory_space<hbm>>) target(%arg11 : memref<16000xf32, #tpu.memory_space<vmem>>) target_semaphore(%arg19 : memref<!tpu.dma_semaphore, #tpu.memory_space<semaphore_mem>>)
    %dma_wait3A_207 = tpu.memref_slice %arg2[%add3A_156] : memref<10240000xf32, #tpu.memory_space<hbm>> -> memref<16000xf32, #tpu.memory_space<hbm>>
    %dma_wait3A_208 = tpu.memref_slice %arg2[%add3A_156] : memref<10240000xf32, #tpu.memory_space<hbm>> -> memref<16000xf32, #tpu.memory_space<hbm>>
    tpu.wait_dma2 semaphore(%arg23 : memref<!tpu.dma_semaphore, #tpu.memory_space<semaphore_mem>>) src(%dma_wait3A_208 : memref<16000xf32, #tpu.memory_space<hbm>>) dst(%arg15 : memref<16000xf32, #tpu.memory_space<vmem>>)
    %add3A_209 = arith.constant 240000 : i32
    %add3A_210 = arith.addi %mul3A_12, %add3A_209 : i32
    %dma_start3A_211 = tpu.memref_slice %arg5[%add3A_210] : memref<10240000xf32, #tpu.memory_space<hbm>> -> memref<16000xf32, #tpu.memory_space<hbm>>
    %dma_start3A_212 = tpu.memref_slice %arg5[%add3A_210] : memref<10240000xf32, #tpu.memory_space<hbm>> -> memref<16000xf32, #tpu.memory_space<hbm>>
    tpu.enqueue_dma source(%arg15 : memref<16000xf32, #tpu.memory_space<vmem>>) target(%dma_start3A_212 : memref<16000xf32, #tpu.memory_space<hbm>>) target_semaphore(%arg31 : memref<!tpu.dma_semaphore, #tpu.memory_space<semaphore_mem>>)
    %dma_wait3A_213 = tpu.memref_slice %arg5[%add3A_174] : memref<10240000xf32, #tpu.memory_space<hbm>> -> memref<16000xf32, #tpu.memory_space<hbm>>
    %dma_wait3A_214 = tpu.memref_slice %arg5[%add3A_174] : memref<10240000xf32, #tpu.memory_space<hbm>> -> memref<16000xf32, #tpu.memory_space<hbm>>
    tpu.wait_dma2 semaphore(%arg28 : memref<!tpu.dma_semaphore, #tpu.memory_space<semaphore_mem>>) src(%arg12 : memref<16000xf32, #tpu.memory_space<vmem>>) dst(%dma_wait3A_214 : memref<16000xf32, #tpu.memory_space<hbm>>)
    %add3A_215 = arith.constant 0 : i32
    %add3A_216 = arith.addi %mul3A_14, %add3A_215 : i32
    %dma_start3A_217 = tpu.memref_slice %arg3[%add3A_216] : memref<5120000xf32, #tpu.memory_space<hbm>> -> memref<16000xf32, #tpu.memory_space<hbm>>
    %dma_start3A_218 = tpu.memref_slice %arg3[%add3A_216] : memref<5120000xf32, #tpu.memory_space<hbm>> -> memref<16000xf32, #tpu.memory_space<hbm>>
    tpu.enqueue_dma source(%dma_start3A_218 : memref<16000xf32, #tpu.memory_space<hbm>>) target(%arg12 : memref<16000xf32, #tpu.memory_space<vmem>>) target_semaphore(%arg20 : memref<!tpu.dma_semaphore, #tpu.memory_space<semaphore_mem>>)
    %dma_wait3A_219 = tpu.memref_slice %arg2[%add3A_168] : memref<10240000xf32, #tpu.memory_space<hbm>> -> memref<16000xf32, #tpu.memory_space<hbm>>
    %dma_wait3A_220 = tpu.memref_slice %arg2[%add3A_168] : memref<10240000xf32, #tpu.memory_space<hbm>> -> memref<16000xf32, #tpu.memory_space<hbm>>
    tpu.wait_dma2 semaphore(%arg16 : memref<!tpu.dma_semaphore, #tpu.memory_space<semaphore_mem>>) src(%dma_wait3A_220 : memref<16000xf32, #tpu.memory_space<hbm>>) dst(%arg8 : memref<16000xf32, #tpu.memory_space<vmem>>)
    %add3A_221 = arith.constant 256000 : i32
    %add3A_222 = arith.addi %mul3A_12, %add3A_221 : i32
    %dma_start3A_223 = tpu.memref_slice %arg5[%add3A_222] : memref<10240000xf32, #tpu.memory_space<hbm>> -> memref<16000xf32, #tpu.memory_space<hbm>>
    %dma_start3A_224 = tpu.memref_slice %arg5[%add3A_222] : memref<10240000xf32, #tpu.memory_space<hbm>> -> memref<16000xf32, #tpu.memory_space<hbm>>
    tpu.enqueue_dma source(%arg8 : memref<16000xf32, #tpu.memory_space<vmem>>) target(%dma_start3A_224 : memref<16000xf32, #tpu.memory_space<hbm>>) target_semaphore(%arg24 : memref<!tpu.dma_semaphore, #tpu.memory_space<semaphore_mem>>)
    %dma_wait3A_225 = tpu.memref_slice %arg5[%add3A_186] : memref<10240000xf32, #tpu.memory_space<hbm>> -> memref<16000xf32, #tpu.memory_space<hbm>>
    %dma_wait3A_226 = tpu.memref_slice %arg5[%add3A_186] : memref<10240000xf32, #tpu.memory_space<hbm>> -> memref<16000xf32, #tpu.memory_space<hbm>>
    tpu.wait_dma2 semaphore(%arg29 : memref<!tpu.dma_semaphore, #tpu.memory_space<semaphore_mem>>) src(%arg13 : memref<16000xf32, #tpu.memory_space<vmem>>) dst(%dma_wait3A_226 : memref<16000xf32, #tpu.memory_space<hbm>>)
    %add3A_227 = arith.constant 16000 : i32
    %add3A_228 = arith.addi %mul3A_14, %add3A_227 : i32
    %dma_start3A_229 = tpu.memref_slice %arg3[%add3A_228] : memref<5120000xf32, #tpu.memory_space<hbm>> -> memref<16000xf32, #tpu.memory_space<hbm>>
    %dma_start3A_230 = tpu.memref_slice %arg3[%add3A_228] : memref<5120000xf32, #tpu.memory_space<hbm>> -> memref<16000xf32, #tpu.memory_space<hbm>>
    tpu.enqueue_dma source(%dma_start3A_230 : memref<16000xf32, #tpu.memory_space<hbm>>) target(%arg13 : memref<16000xf32, #tpu.memory_space<vmem>>) target_semaphore(%arg21 : memref<!tpu.dma_semaphore, #tpu.memory_space<semaphore_mem>>)
    %dma_wait3A_231 = tpu.memref_slice %arg2[%add3A_180] : memref<10240000xf32, #tpu.memory_space<hbm>> -> memref<16000xf32, #tpu.memory_space<hbm>>
    %dma_wait3A_232 = tpu.memref_slice %arg2[%add3A_180] : memref<10240000xf32, #tpu.memory_space<hbm>> -> memref<16000xf32, #tpu.memory_space<hbm>>
    tpu.wait_dma2 semaphore(%arg17 : memref<!tpu.dma_semaphore, #tpu.memory_space<semaphore_mem>>) src(%dma_wait3A_232 : memref<16000xf32, #tpu.memory_space<hbm>>) dst(%arg9 : memref<16000xf32, #tpu.memory_space<vmem>>)
    %add3A_233 = arith.constant 272000 : i32
    %add3A_234 = arith.addi %mul3A_12, %add3A_233 : i32
    %dma_start3A_235 = tpu.memref_slice %arg5[%add3A_234] : memref<10240000xf32, #tpu.memory_space<hbm>> -> memref<16000xf32, #tpu.memory_space<hbm>>
    %dma_start3A_236 = tpu.memref_slice %arg5[%add3A_234] : memref<10240000xf32, #tpu.memory_space<hbm>> -> memref<16000xf32, #tpu.memory_space<hbm>>
    tpu.enqueue_dma source(%arg9 : memref<16000xf32, #tpu.memory_space<vmem>>) target(%dma_start3A_236 : memref<16000xf32, #tpu.memory_space<hbm>>) target_semaphore(%arg25 : memref<!tpu.dma_semaphore, #tpu.memory_space<semaphore_mem>>)
    %dma_wait3A_237 = tpu.memref_slice %arg5[%add3A_198] : memref<10240000xf32, #tpu.memory_space<hbm>> -> memref<16000xf32, #tpu.memory_space<hbm>>
    %dma_wait3A_238 = tpu.memref_slice %arg5[%add3A_198] : memref<10240000xf32, #tpu.memory_space<hbm>> -> memref<16000xf32, #tpu.memory_space<hbm>>
    tpu.wait_dma2 semaphore(%arg30 : memref<!tpu.dma_semaphore, #tpu.memory_space<semaphore_mem>>) src(%arg14 : memref<16000xf32, #tpu.memory_space<vmem>>) dst(%dma_wait3A_238 : memref<16000xf32, #tpu.memory_space<hbm>>)
    %add3A_239 = arith.constant 32000 : i32
    %add3A_240 = arith.addi %mul3A_14, %add3A_239 : i32
    %dma_start3A_241 = tpu.memref_slice %arg3[%add3A_240] : memref<5120000xf32, #tpu.memory_space<hbm>> -> memref<16000xf32, #tpu.memory_space<hbm>>
    %dma_start3A_242 = tpu.memref_slice %arg3[%add3A_240] : memref<5120000xf32, #tpu.memory_space<hbm>> -> memref<16000xf32, #tpu.memory_space<hbm>>
    tpu.enqueue_dma source(%dma_start3A_242 : memref<16000xf32, #tpu.memory_space<hbm>>) target(%arg14 : memref<16000xf32, #tpu.memory_space<vmem>>) target_semaphore(%arg22 : memref<!tpu.dma_semaphore, #tpu.memory_space<semaphore_mem>>)
    %dma_wait3A_243 = tpu.memref_slice %arg2[%add3A_192] : memref<10240000xf32, #tpu.memory_space<hbm>> -> memref<16000xf32, #tpu.memory_space<hbm>>
    %dma_wait3A_244 = tpu.memref_slice %arg2[%add3A_192] : memref<10240000xf32, #tpu.memory_space<hbm>> -> memref<16000xf32, #tpu.memory_space<hbm>>
    tpu.wait_dma2 semaphore(%arg18 : memref<!tpu.dma_semaphore, #tpu.memory_space<semaphore_mem>>) src(%dma_wait3A_244 : memref<16000xf32, #tpu.memory_space<hbm>>) dst(%arg10 : memref<16000xf32, #tpu.memory_space<vmem>>)
    %add3A_245 = arith.constant 288000 : i32
    %add3A_246 = arith.addi %mul3A_12, %add3A_245 : i32
    %dma_start3A_247 = tpu.memref_slice %arg5[%add3A_246] : memref<10240000xf32, #tpu.memory_space<hbm>> -> memref<16000xf32, #tpu.memory_space<hbm>>
    %dma_start3A_248 = tpu.memref_slice %arg5[%add3A_246] : memref<10240000xf32, #tpu.memory_space<hbm>> -> memref<16000xf32, #tpu.memory_space<hbm>>
    tpu.enqueue_dma source(%arg10 : memref<16000xf32, #tpu.memory_space<vmem>>) target(%dma_start3A_248 : memref<16000xf32, #tpu.memory_space<hbm>>) target_semaphore(%arg26 : memref<!tpu.dma_semaphore, #tpu.memory_space<semaphore_mem>>)
    %dma_wait3A_249 = tpu.memref_slice %arg5[%add3A_210] : memref<10240000xf32, #tpu.memory_space<hbm>> -> memref<16000xf32, #tpu.memory_space<hbm>>
    %dma_wait3A_250 = tpu.memref_slice %arg5[%add3A_210] : memref<10240000xf32, #tpu.memory_space<hbm>> -> memref<16000xf32, #tpu.memory_space<hbm>>
    tpu.wait_dma2 semaphore(%arg31 : memref<!tpu.dma_semaphore, #tpu.memory_space<semaphore_mem>>) src(%arg15 : memref<16000xf32, #tpu.memory_space<vmem>>) dst(%dma_wait3A_250 : memref<16000xf32, #tpu.memory_space<hbm>>)
    %add3A_251 = arith.constant 48000 : i32
    %add3A_252 = arith.addi %mul3A_14, %add3A_251 : i32
    %dma_start3A_253 = tpu.memref_slice %arg3[%add3A_252] : memref<5120000xf32, #tpu.memory_space<hbm>> -> memref<16000xf32, #tpu.memory_space<hbm>>
    %dma_start3A_254 = tpu.memref_slice %arg3[%add3A_252] : memref<5120000xf32, #tpu.memory_space<hbm>> -> memref<16000xf32, #tpu.memory_space<hbm>>
    tpu.enqueue_dma source(%dma_start3A_254 : memref<16000xf32, #tpu.memory_space<hbm>>) target(%arg15 : memref<16000xf32, #tpu.memory_space<vmem>>) target_semaphore(%arg23 : memref<!tpu.dma_semaphore, #tpu.memory_space<semaphore_mem>>)
    %dma_wait3A_255 = tpu.memref_slice %arg2[%add3A_204] : memref<10240000xf32, #tpu.memory_space<hbm>> -> memref<16000xf32, #tpu.memory_space<hbm>>
    %dma_wait3A_256 = tpu.memref_slice %arg2[%add3A_204] : memref<10240000xf32, #tpu.memory_space<hbm>> -> memref<16000xf32, #tpu.memory_space<hbm>>
    tpu.wait_dma2 semaphore(%arg19 : memref<!tpu.dma_semaphore, #tpu.memory_space<semaphore_mem>>) src(%dma_wait3A_256 : memref<16000xf32, #tpu.memory_space<hbm>>) dst(%arg11 : memref<16000xf32, #tpu.memory_space<vmem>>)
    %add3A_257 = arith.constant 304000 : i32
    %add3A_258 = arith.addi %mul3A_12, %add3A_257 : i32
    %dma_start3A_259 = tpu.memref_slice %arg5[%add3A_258] : memref<10240000xf32, #tpu.memory_space<hbm>> -> memref<16000xf32, #tpu.memory_space<hbm>>
    %dma_start3A_260 = tpu.memref_slice %arg5[%add3A_258] : memref<10240000xf32, #tpu.memory_space<hbm>> -> memref<16000xf32, #tpu.memory_space<hbm>>
    tpu.enqueue_dma source(%arg11 : memref<16000xf32, #tpu.memory_space<vmem>>) target(%dma_start3A_260 : memref<16000xf32, #tpu.memory_space<hbm>>) target_semaphore(%arg27 : memref<!tpu.dma_semaphore, #tpu.memory_space<semaphore_mem>>)
    %dma_wait3A_261 = tpu.memref_slice %arg5[%add3A_222] : memref<10240000xf32, #tpu.memory_space<hbm>> -> memref<16000xf32, #tpu.memory_space<hbm>>
    %dma_wait3A_262 = tpu.memref_slice %arg5[%add3A_222] : memref<10240000xf32, #tpu.memory_space<hbm>> -> memref<16000xf32, #tpu.memory_space<hbm>>
    tpu.wait_dma2 semaphore(%arg24 : memref<!tpu.dma_semaphore, #tpu.memory_space<semaphore_mem>>) src(%arg8 : memref<16000xf32, #tpu.memory_space<vmem>>) dst(%dma_wait3A_262 : memref<16000xf32, #tpu.memory_space<hbm>>)
    %add3A_263 = arith.constant 64000 : i32
    %add3A_264 = arith.addi %mul3A_14, %add3A_263 : i32
    %dma_start3A_265 = tpu.memref_slice %arg3[%add3A_264] : memref<5120000xf32, #tpu.memory_space<hbm>> -> memref<16000xf32, #tpu.memory_space<hbm>>
    %dma_start3A_266 = tpu.memref_slice %arg3[%add3A_264] : memref<5120000xf32, #tpu.memory_space<hbm>> -> memref<16000xf32, #tpu.memory_space<hbm>>
    tpu.enqueue_dma source(%dma_start3A_266 : memref<16000xf32, #tpu.memory_space<hbm>>) target(%arg8 : memref<16000xf32, #tpu.memory_space<vmem>>) target_semaphore(%arg16 : memref<!tpu.dma_semaphore, #tpu.memory_space<semaphore_mem>>)
    %dma_wait3A_267 = tpu.memref_slice %arg3[%add3A_216] : memref<5120000xf32, #tpu.memory_space<hbm>> -> memref<16000xf32, #tpu.memory_space<hbm>>
    %dma_wait3A_268 = tpu.memref_slice %arg3[%add3A_216] : memref<5120000xf32, #tpu.memory_space<hbm>> -> memref<16000xf32, #tpu.memory_space<hbm>>
    tpu.wait_dma2 semaphore(%arg20 : memref<!tpu.dma_semaphore, #tpu.memory_space<semaphore_mem>>) src(%dma_wait3A_268 : memref<16000xf32, #tpu.memory_space<hbm>>) dst(%arg12 : memref<16000xf32, #tpu.memory_space<vmem>>)
    %add3A_269 = arith.constant 0 : i32
    %add3A_270 = arith.addi %mul3A_14, %add3A_269 : i32
    %dma_start3A_271 = tpu.memref_slice %arg6[%add3A_270] : memref<5120000xf32, #tpu.memory_space<hbm>> -> memref<16000xf32, #tpu.memory_space<hbm>>
    %dma_start3A_272 = tpu.memref_slice %arg6[%add3A_270] : memref<5120000xf32, #tpu.memory_space<hbm>> -> memref<16000xf32, #tpu.memory_space<hbm>>
    tpu.enqueue_dma source(%arg12 : memref<16000xf32, #tpu.memory_space<vmem>>) target(%dma_start3A_272 : memref<16000xf32, #tpu.memory_space<hbm>>) target_semaphore(%arg28 : memref<!tpu.dma_semaphore, #tpu.memory_space<semaphore_mem>>)
    %dma_wait3A_273 = tpu.memref_slice %arg5[%add3A_234] : memref<10240000xf32, #tpu.memory_space<hbm>> -> memref<16000xf32, #tpu.memory_space<hbm>>
    %dma_wait3A_274 = tpu.memref_slice %arg5[%add3A_234] : memref<10240000xf32, #tpu.memory_space<hbm>> -> memref<16000xf32, #tpu.memory_space<hbm>>
    tpu.wait_dma2 semaphore(%arg25 : memref<!tpu.dma_semaphore, #tpu.memory_space<semaphore_mem>>) src(%arg9 : memref<16000xf32, #tpu.memory_space<vmem>>) dst(%dma_wait3A_274 : memref<16000xf32, #tpu.memory_space<hbm>>)
    %add3A_275 = arith.constant 80000 : i32
    %add3A_276 = arith.addi %mul3A_14, %add3A_275 : i32
    %dma_start3A_277 = tpu.memref_slice %arg3[%add3A_276] : memref<5120000xf32, #tpu.memory_space<hbm>> -> memref<16000xf32, #tpu.memory_space<hbm>>
    %dma_start3A_278 = tpu.memref_slice %arg3[%add3A_276] : memref<5120000xf32, #tpu.memory_space<hbm>> -> memref<16000xf32, #tpu.memory_space<hbm>>
    tpu.enqueue_dma source(%dma_start3A_278 : memref<16000xf32, #tpu.memory_space<hbm>>) target(%arg9 : memref<16000xf32, #tpu.memory_space<vmem>>) target_semaphore(%arg17 : memref<!tpu.dma_semaphore, #tpu.memory_space<semaphore_mem>>)
    %dma_wait3A_279 = tpu.memref_slice %arg3[%add3A_228] : memref<5120000xf32, #tpu.memory_space<hbm>> -> memref<16000xf32, #tpu.memory_space<hbm>>
    %dma_wait3A_280 = tpu.memref_slice %arg3[%add3A_228] : memref<5120000xf32, #tpu.memory_space<hbm>> -> memref<16000xf32, #tpu.memory_space<hbm>>
    tpu.wait_dma2 semaphore(%arg21 : memref<!tpu.dma_semaphore, #tpu.memory_space<semaphore_mem>>) src(%dma_wait3A_280 : memref<16000xf32, #tpu.memory_space<hbm>>) dst(%arg13 : memref<16000xf32, #tpu.memory_space<vmem>>)
    %add3A_281 = arith.constant 16000 : i32
    %add3A_282 = arith.addi %mul3A_14, %add3A_281 : i32
    %dma_start3A_283 = tpu.memref_slice %arg6[%add3A_282] : memref<5120000xf32, #tpu.memory_space<hbm>> -> memref<16000xf32, #tpu.memory_space<hbm>>
    %dma_start3A_284 = tpu.memref_slice %arg6[%add3A_282] : memref<5120000xf32, #tpu.memory_space<hbm>> -> memref<16000xf32, #tpu.memory_space<hbm>>
    tpu.enqueue_dma source(%arg13 : memref<16000xf32, #tpu.memory_space<vmem>>) target(%dma_start3A_284 : memref<16000xf32, #tpu.memory_space<hbm>>) target_semaphore(%arg29 : memref<!tpu.dma_semaphore, #tpu.memory_space<semaphore_mem>>)
    %dma_wait3A_285 = tpu.memref_slice %arg5[%add3A_246] : memref<10240000xf32, #tpu.memory_space<hbm>> -> memref<16000xf32, #tpu.memory_space<hbm>>
    %dma_wait3A_286 = tpu.memref_slice %arg5[%add3A_246] : memref<10240000xf32, #tpu.memory_space<hbm>> -> memref<16000xf32, #tpu.memory_space<hbm>>
    tpu.wait_dma2 semaphore(%arg26 : memref<!tpu.dma_semaphore, #tpu.memory_space<semaphore_mem>>) src(%arg10 : memref<16000xf32, #tpu.memory_space<vmem>>) dst(%dma_wait3A_286 : memref<16000xf32, #tpu.memory_space<hbm>>)
    %add3A_287 = arith.constant 96000 : i32
    %add3A_288 = arith.addi %mul3A_14, %add3A_287 : i32
    %dma_start3A_289 = tpu.memref_slice %arg3[%add3A_288] : memref<5120000xf32, #tpu.memory_space<hbm>> -> memref<16000xf32, #tpu.memory_space<hbm>>
    %dma_start3A_290 = tpu.memref_slice %arg3[%add3A_288] : memref<5120000xf32, #tpu.memory_space<hbm>> -> memref<16000xf32, #tpu.memory_space<hbm>>
    tpu.enqueue_dma source(%dma_start3A_290 : memref<16000xf32, #tpu.memory_space<hbm>>) target(%arg10 : memref<16000xf32, #tpu.memory_space<vmem>>) target_semaphore(%arg18 : memref<!tpu.dma_semaphore, #tpu.memory_space<semaphore_mem>>)
    %dma_wait3A_291 = tpu.memref_slice %arg3[%add3A_240] : memref<5120000xf32, #tpu.memory_space<hbm>> -> memref<16000xf32, #tpu.memory_space<hbm>>
    %dma_wait3A_292 = tpu.memref_slice %arg3[%add3A_240] : memref<5120000xf32, #tpu.memory_space<hbm>> -> memref<16000xf32, #tpu.memory_space<hbm>>
    tpu.wait_dma2 semaphore(%arg22 : memref<!tpu.dma_semaphore, #tpu.memory_space<semaphore_mem>>) src(%dma_wait3A_292 : memref<16000xf32, #tpu.memory_space<hbm>>) dst(%arg14 : memref<16000xf32, #tpu.memory_space<vmem>>)
    %add3A_293 = arith.constant 32000 : i32
    %add3A_294 = arith.addi %mul3A_14, %add3A_293 : i32
    %dma_start3A_295 = tpu.memref_slice %arg6[%add3A_294] : memref<5120000xf32, #tpu.memory_space<hbm>> -> memref<16000xf32, #tpu.memory_space<hbm>>
    %dma_start3A_296 = tpu.memref_slice %arg6[%add3A_294] : memref<5120000xf32, #tpu.memory_space<hbm>> -> memref<16000xf32, #tpu.memory_space<hbm>>
    tpu.enqueue_dma source(%arg14 : memref<16000xf32, #tpu.memory_space<vmem>>) target(%dma_start3A_296 : memref<16000xf32, #tpu.memory_space<hbm>>) target_semaphore(%arg30 : memref<!tpu.dma_semaphore, #tpu.memory_space<semaphore_mem>>)
    %dma_wait3A_297 = tpu.memref_slice %arg5[%add3A_258] : memref<10240000xf32, #tpu.memory_space<hbm>> -> memref<16000xf32, #tpu.memory_space<hbm>>
    %dma_wait3A_298 = tpu.memref_slice %arg5[%add3A_258] : memref<10240000xf32, #tpu.memory_space<hbm>> -> memref<16000xf32, #tpu.memory_space<hbm>>
    tpu.wait_dma2 semaphore(%arg27 : memref<!tpu.dma_semaphore, #tpu.memory_space<semaphore_mem>>) src(%arg11 : memref<16000xf32, #tpu.memory_space<vmem>>) dst(%dma_wait3A_298 : memref<16000xf32, #tpu.memory_space<hbm>>)
    %add3A_299 = arith.constant 112000 : i32
    %add3A_300 = arith.addi %mul3A_14, %add3A_299 : i32
    %dma_start3A_301 = tpu.memref_slice %arg3[%add3A_300] : memref<5120000xf32, #tpu.memory_space<hbm>> -> memref<16000xf32, #tpu.memory_space<hbm>>
    %dma_start3A_302 = tpu.memref_slice %arg3[%add3A_300] : memref<5120000xf32, #tpu.memory_space<hbm>> -> memref<16000xf32, #tpu.memory_space<hbm>>
    tpu.enqueue_dma source(%dma_start3A_302 : memref<16000xf32, #tpu.memory_space<hbm>>) target(%arg11 : memref<16000xf32, #tpu.memory_space<vmem>>) target_semaphore(%arg19 : memref<!tpu.dma_semaphore, #tpu.memory_space<semaphore_mem>>)
    %dma_wait3A_303 = tpu.memref_slice %arg3[%add3A_252] : memref<5120000xf32, #tpu.memory_space<hbm>> -> memref<16000xf32, #tpu.memory_space<hbm>>
    %dma_wait3A_304 = tpu.memref_slice %arg3[%add3A_252] : memref<5120000xf32, #tpu.memory_space<hbm>> -> memref<16000xf32, #tpu.memory_space<hbm>>
    tpu.wait_dma2 semaphore(%arg23 : memref<!tpu.dma_semaphore, #tpu.memory_space<semaphore_mem>>) src(%dma_wait3A_304 : memref<16000xf32, #tpu.memory_space<hbm>>) dst(%arg15 : memref<16000xf32, #tpu.memory_space<vmem>>)
    %add3A_305 = arith.constant 48000 : i32
    %add3A_306 = arith.addi %mul3A_14, %add3A_305 : i32
    %dma_start3A_307 = tpu.memref_slice %arg6[%add3A_306] : memref<5120000xf32, #tpu.memory_space<hbm>> -> memref<16000xf32, #tpu.memory_space<hbm>>
    %dma_start3A_308 = tpu.memref_slice %arg6[%add3A_306] : memref<5120000xf32, #tpu.memory_space<hbm>> -> memref<16000xf32, #tpu.memory_space<hbm>>
    tpu.enqueue_dma source(%arg15 : memref<16000xf32, #tpu.memory_space<vmem>>) target(%dma_start3A_308 : memref<16000xf32, #tpu.memory_space<hbm>>) target_semaphore(%arg31 : memref<!tpu.dma_semaphore, #tpu.memory_space<semaphore_mem>>)
    %dma_wait3A_309 = tpu.memref_slice %arg6[%add3A_270] : memref<5120000xf32, #tpu.memory_space<hbm>> -> memref<16000xf32, #tpu.memory_space<hbm>>
    %dma_wait3A_310 = tpu.memref_slice %arg6[%add3A_270] : memref<5120000xf32, #tpu.memory_space<hbm>> -> memref<16000xf32, #tpu.memory_space<hbm>>
    tpu.wait_dma2 semaphore(%arg28 : memref<!tpu.dma_semaphore, #tpu.memory_space<semaphore_mem>>) src(%arg12 : memref<16000xf32, #tpu.memory_space<vmem>>) dst(%dma_wait3A_310 : memref<16000xf32, #tpu.memory_space<hbm>>)
    %add3A_311 = arith.constant 128000 : i32
    %add3A_312 = arith.addi %mul3A_14, %add3A_311 : i32
    %dma_start3A_313 = tpu.memref_slice %arg3[%add3A_312] : memref<5120000xf32, #tpu.memory_space<hbm>> -> memref<16000xf32, #tpu.memory_space<hbm>>
    %dma_start3A_314 = tpu.memref_slice %arg3[%add3A_312] : memref<5120000xf32, #tpu.memory_space<hbm>> -> memref<16000xf32, #tpu.memory_space<hbm>>
    tpu.enqueue_dma source(%dma_start3A_314 : memref<16000xf32, #tpu.memory_space<hbm>>) target(%arg12 : memref<16000xf32, #tpu.memory_space<vmem>>) target_semaphore(%arg20 : memref<!tpu.dma_semaphore, #tpu.memory_space<semaphore_mem>>)
    %dma_wait3A_315 = tpu.memref_slice %arg3[%add3A_264] : memref<5120000xf32, #tpu.memory_space<hbm>> -> memref<16000xf32, #tpu.memory_space<hbm>>
    %dma_wait3A_316 = tpu.memref_slice %arg3[%add3A_264] : memref<5120000xf32, #tpu.memory_space<hbm>> -> memref<16000xf32, #tpu.memory_space<hbm>>
    tpu.wait_dma2 semaphore(%arg16 : memref<!tpu.dma_semaphore, #tpu.memory_space<semaphore_mem>>) src(%dma_wait3A_316 : memref<16000xf32, #tpu.memory_space<hbm>>) dst(%arg8 : memref<16000xf32, #tpu.memory_space<vmem>>)
    %add3A_317 = arith.constant 64000 : i32
    %add3A_318 = arith.addi %mul3A_14, %add3A_317 : i32
    %dma_start3A_319 = tpu.memref_slice %arg6[%add3A_318] : memref<5120000xf32, #tpu.memory_space<hbm>> -> memref<16000xf32, #tpu.memory_space<hbm>>
    %dma_start3A_320 = tpu.memref_slice %arg6[%add3A_318] : memref<5120000xf32, #tpu.memory_space<hbm>> -> memref<16000xf32, #tpu.memory_space<hbm>>
    tpu.enqueue_dma source(%arg8 : memref<16000xf32, #tpu.memory_space<vmem>>) target(%dma_start3A_320 : memref<16000xf32, #tpu.memory_space<hbm>>) target_semaphore(%arg24 : memref<!tpu.dma_semaphore, #tpu.memory_space<semaphore_mem>>)
    %dma_wait3A_321 = tpu.memref_slice %arg6[%add3A_282] : memref<5120000xf32, #tpu.memory_space<hbm>> -> memref<16000xf32, #tpu.memory_space<hbm>>
    %dma_wait3A_322 = tpu.memref_slice %arg6[%add3A_282] : memref<5120000xf32, #tpu.memory_space<hbm>> -> memref<16000xf32, #tpu.memory_space<hbm>>
    tpu.wait_dma2 semaphore(%arg29 : memref<!tpu.dma_semaphore, #tpu.memory_space<semaphore_mem>>) src(%arg13 : memref<16000xf32, #tpu.memory_space<vmem>>) dst(%dma_wait3A_322 : memref<16000xf32, #tpu.memory_space<hbm>>)
    %add3A_323 = arith.constant 144000 : i32
    %add3A_324 = arith.addi %mul3A_14, %add3A_323 : i32
    %dma_start3A_325 = tpu.memref_slice %arg3[%add3A_324] : memref<5120000xf32, #tpu.memory_space<hbm>> -> memref<16000xf32, #tpu.memory_space<hbm>>
    %dma_start3A_326 = tpu.memref_slice %arg3[%add3A_324] : memref<5120000xf32, #tpu.memory_space<hbm>> -> memref<16000xf32, #tpu.memory_space<hbm>>
    tpu.enqueue_dma source(%dma_start3A_326 : memref<16000xf32, #tpu.memory_space<hbm>>) target(%arg13 : memref<16000xf32, #tpu.memory_space<vmem>>) target_semaphore(%arg21 : memref<!tpu.dma_semaphore, #tpu.memory_space<semaphore_mem>>)
    %dma_wait3A_327 = tpu.memref_slice %arg3[%add3A_276] : memref<5120000xf32, #tpu.memory_space<hbm>> -> memref<16000xf32, #tpu.memory_space<hbm>>
    %dma_wait3A_328 = tpu.memref_slice %arg3[%add3A_276] : memref<5120000xf32, #tpu.memory_space<hbm>> -> memref<16000xf32, #tpu.memory_space<hbm>>
    tpu.wait_dma2 semaphore(%arg17 : memref<!tpu.dma_semaphore, #tpu.memory_space<semaphore_mem>>) src(%dma_wait3A_328 : memref<16000xf32, #tpu.memory_space<hbm>>) dst(%arg9 : memref<16000xf32, #tpu.memory_space<vmem>>)
    %add3A_329 = arith.constant 80000 : i32
    %add3A_330 = arith.addi %mul3A_14, %add3A_329 : i32
    %dma_start3A_331 = tpu.memref_slice %arg6[%add3A_330] : memref<5120000xf32, #tpu.memory_space<hbm>> -> memref<16000xf32, #tpu.memory_space<hbm>>
    %dma_start3A_332 = tpu.memref_slice %arg6[%add3A_330] : memref<5120000xf32, #tpu.memory_space<hbm>> -> memref<16000xf32, #tpu.memory_space<hbm>>
    tpu.enqueue_dma source(%arg9 : memref<16000xf32, #tpu.memory_space<vmem>>) target(%dma_start3A_332 : memref<16000xf32, #tpu.memory_space<hbm>>) target_semaphore(%arg25 : memref<!tpu.dma_semaphore, #tpu.memory_space<semaphore_mem>>)
    %dma_wait3A_333 = tpu.memref_slice %arg3[%add3A_288] : memref<5120000xf32, #tpu.memory_space<hbm>> -> memref<16000xf32, #tpu.memory_space<hbm>>
    %dma_wait3A_334 = tpu.memref_slice %arg3[%add3A_288] : memref<5120000xf32, #tpu.memory_space<hbm>> -> memref<16000xf32, #tpu.memory_space<hbm>>
    tpu.wait_dma2 semaphore(%arg18 : memref<!tpu.dma_semaphore, #tpu.memory_space<semaphore_mem>>) src(%dma_wait3A_334 : memref<16000xf32, #tpu.memory_space<hbm>>) dst(%arg10 : memref<16000xf32, #tpu.memory_space<vmem>>)
    %add3A_335 = arith.constant 96000 : i32
    %add3A_336 = arith.addi %mul3A_14, %add3A_335 : i32
    %dma_start3A_337 = tpu.memref_slice %arg6[%add3A_336] : memref<5120000xf32, #tpu.memory_space<hbm>> -> memref<16000xf32, #tpu.memory_space<hbm>>
    %dma_start3A_338 = tpu.memref_slice %arg6[%add3A_336] : memref<5120000xf32, #tpu.memory_space<hbm>> -> memref<16000xf32, #tpu.memory_space<hbm>>
    tpu.enqueue_dma source(%arg10 : memref<16000xf32, #tpu.memory_space<vmem>>) target(%dma_start3A_338 : memref<16000xf32, #tpu.memory_space<hbm>>) target_semaphore(%arg26 : memref<!tpu.dma_semaphore, #tpu.memory_space<semaphore_mem>>)
    %dma_wait3A_339 = tpu.memref_slice %arg3[%add3A_300] : memref<5120000xf32, #tpu.memory_space<hbm>> -> memref<16000xf32, #tpu.memory_space<hbm>>
    %dma_wait3A_340 = tpu.memref_slice %arg3[%add3A_300] : memref<5120000xf32, #tpu.memory_space<hbm>> -> memref<16000xf32, #tpu.memory_space<hbm>>
    tpu.wait_dma2 semaphore(%arg19 : memref<!tpu.dma_semaphore, #tpu.memory_space<semaphore_mem>>) src(%dma_wait3A_340 : memref<16000xf32, #tpu.memory_space<hbm>>) dst(%arg11 : memref<16000xf32, #tpu.memory_space<vmem>>)
    %add3A_341 = arith.constant 112000 : i32
    %add3A_342 = arith.addi %mul3A_14, %add3A_341 : i32
    %dma_start3A_343 = tpu.memref_slice %arg6[%add3A_342] : memref<5120000xf32, #tpu.memory_space<hbm>> -> memref<16000xf32, #tpu.memory_space<hbm>>
    %dma_start3A_344 = tpu.memref_slice %arg6[%add3A_342] : memref<5120000xf32, #tpu.memory_space<hbm>> -> memref<16000xf32, #tpu.memory_space<hbm>>
    tpu.enqueue_dma source(%arg11 : memref<16000xf32, #tpu.memory_space<vmem>>) target(%dma_start3A_344 : memref<16000xf32, #tpu.memory_space<hbm>>) target_semaphore(%arg27 : memref<!tpu.dma_semaphore, #tpu.memory_space<semaphore_mem>>)
    %dma_wait3A_345 = tpu.memref_slice %arg3[%add3A_312] : memref<5120000xf32, #tpu.memory_space<hbm>> -> memref<16000xf32, #tpu.memory_space<hbm>>
    %dma_wait3A_346 = tpu.memref_slice %arg3[%add3A_312] : memref<5120000xf32, #tpu.memory_space<hbm>> -> memref<16000xf32, #tpu.memory_space<hbm>>
    tpu.wait_dma2 semaphore(%arg20 : memref<!tpu.dma_semaphore, #tpu.memory_space<semaphore_mem>>) src(%dma_wait3A_346 : memref<16000xf32, #tpu.memory_space<hbm>>) dst(%arg12 : memref<16000xf32, #tpu.memory_space<vmem>>)
    %add3A_347 = arith.constant 128000 : i32
    %add3A_348 = arith.addi %mul3A_14, %add3A_347 : i32
    %dma_start3A_349 = tpu.memref_slice %arg6[%add3A_348] : memref<5120000xf32, #tpu.memory_space<hbm>> -> memref<16000xf32, #tpu.memory_space<hbm>>
    %dma_start3A_350 = tpu.memref_slice %arg6[%add3A_348] : memref<5120000xf32, #tpu.memory_space<hbm>> -> memref<16000xf32, #tpu.memory_space<hbm>>
    tpu.enqueue_dma source(%arg12 : memref<16000xf32, #tpu.memory_space<vmem>>) target(%dma_start3A_350 : memref<16000xf32, #tpu.memory_space<hbm>>) target_semaphore(%arg28 : memref<!tpu.dma_semaphore, #tpu.memory_space<semaphore_mem>>)
    %dma_wait3A_351 = tpu.memref_slice %arg3[%add3A_324] : memref<5120000xf32, #tpu.memory_space<hbm>> -> memref<16000xf32, #tpu.memory_space<hbm>>
    %dma_wait3A_352 = tpu.memref_slice %arg3[%add3A_324] : memref<5120000xf32, #tpu.memory_space<hbm>> -> memref<16000xf32, #tpu.memory_space<hbm>>
    tpu.wait_dma2 semaphore(%arg21 : memref<!tpu.dma_semaphore, #tpu.memory_space<semaphore_mem>>) src(%dma_wait3A_352 : memref<16000xf32, #tpu.memory_space<hbm>>) dst(%arg13 : memref<16000xf32, #tpu.memory_space<vmem>>)
    %add3A_353 = arith.constant 144000 : i32
    %add3A_354 = arith.addi %mul3A_14, %add3A_353 : i32
    %dma_start3A_355 = tpu.memref_slice %arg6[%add3A_354] : memref<5120000xf32, #tpu.memory_space<hbm>> -> memref<16000xf32, #tpu.memory_space<hbm>>
    %dma_start3A_356 = tpu.memref_slice %arg6[%add3A_354] : memref<5120000xf32, #tpu.memory_space<hbm>> -> memref<16000xf32, #tpu.memory_space<hbm>>
    tpu.enqueue_dma source(%arg13 : memref<16000xf32, #tpu.memory_space<vmem>>) target(%dma_start3A_356 : memref<16000xf32, #tpu.memory_space<hbm>>) target_semaphore(%arg29 : memref<!tpu.dma_semaphore, #tpu.memory_space<semaphore_mem>>)
    %dma_wait3A_357 = tpu.memref_slice %arg6[%add3A_294] : memref<5120000xf32, #tpu.memory_space<hbm>> -> memref<16000xf32, #tpu.memory_space<hbm>>
    %dma_wait3A_358 = tpu.memref_slice %arg6[%add3A_294] : memref<5120000xf32, #tpu.memory_space<hbm>> -> memref<16000xf32, #tpu.memory_space<hbm>>
    tpu.wait_dma2 semaphore(%arg30 : memref<!tpu.dma_semaphore, #tpu.memory_space<semaphore_mem>>) src(%arg14 : memref<16000xf32, #tpu.memory_space<vmem>>) dst(%dma_wait3A_358 : memref<16000xf32, #tpu.memory_space<hbm>>)
    %dma_wait3A_359 = tpu.memref_slice %arg6[%add3A_306] : memref<5120000xf32, #tpu.memory_space<hbm>> -> memref<16000xf32, #tpu.memory_space<hbm>>
    %dma_wait3A_360 = tpu.memref_slice %arg6[%add3A_306] : memref<5120000xf32, #tpu.memory_space<hbm>> -> memref<16000xf32, #tpu.memory_space<hbm>>
    tpu.wait_dma2 semaphore(%arg31 : memref<!tpu.dma_semaphore, #tpu.memory_space<semaphore_mem>>) src(%arg15 : memref<16000xf32, #tpu.memory_space<vmem>>) dst(%dma_wait3A_360 : memref<16000xf32, #tpu.memory_space<hbm>>)
    %dma_wait3A_361 = tpu.memref_slice %arg6[%add3A_318] : memref<5120000xf32, #tpu.memory_space<hbm>> -> memref<16000xf32, #tpu.memory_space<hbm>>
    %dma_wait3A_362 = tpu.memref_slice %arg6[%add3A_318] : memref<5120000xf32, #tpu.memory_space<hbm>> -> memref<16000xf32, #tpu.memory_space<hbm>>
    tpu.wait_dma2 semaphore(%arg24 : memref<!tpu.dma_semaphore, #tpu.memory_space<semaphore_mem>>) src(%arg8 : memref<16000xf32, #tpu.memory_space<vmem>>) dst(%dma_wait3A_362 : memref<16000xf32, #tpu.memory_space<hbm>>)
    %dma_wait3A_363 = tpu.memref_slice %arg6[%add3A_330] : memref<5120000xf32, #tpu.memory_space<hbm>> -> memref<16000xf32, #tpu.memory_space<hbm>>
    %dma_wait3A_364 = tpu.memref_slice %arg6[%add3A_330] : memref<5120000xf32, #tpu.memory_space<hbm>> -> memref<16000xf32, #tpu.memory_space<hbm>>
    tpu.wait_dma2 semaphore(%arg25 : memref<!tpu.dma_semaphore, #tpu.memory_space<semaphore_mem>>) src(%arg9 : memref<16000xf32, #tpu.memory_space<vmem>>) dst(%dma_wait3A_364 : memref<16000xf32, #tpu.memory_space<hbm>>)
    %dma_wait3A_365 = tpu.memref_slice %arg6[%add3A_336] : memref<5120000xf32, #tpu.memory_space<hbm>> -> memref<16000xf32, #tpu.memory_space<hbm>>
    %dma_wait3A_366 = tpu.memref_slice %arg6[%add3A_336] : memref<5120000xf32, #tpu.memory_space<hbm>> -> memref<16000xf32, #tpu.memory_space<hbm>>
    tpu.wait_dma2 semaphore(%arg26 : memref<!tpu.dma_semaphore, #tpu.memory_space<semaphore_mem>>) src(%arg10 : memref<16000xf32, #tpu.memory_space<vmem>>) dst(%dma_wait3A_366 : memref<16000xf32, #tpu.memory_space<hbm>>)
    %dma_wait3A_367 = tpu.memref_slice %arg6[%add3A_342] : memref<5120000xf32, #tpu.memory_space<hbm>> -> memref<16000xf32, #tpu.memory_space<hbm>>
    %dma_wait3A_368 = tpu.memref_slice %arg6[%add3A_342] : memref<5120000xf32, #tpu.memory_space<hbm>> -> memref<16000xf32, #tpu.memory_space<hbm>>
    tpu.wait_dma2 semaphore(%arg27 : memref<!tpu.dma_semaphore, #tpu.memory_space<semaphore_mem>>) src(%arg11 : memref<16000xf32, #tpu.memory_space<vmem>>) dst(%dma_wait3A_368 : memref<16000xf32, #tpu.memory_space<hbm>>)
    %dma_wait3A_369 = tpu.memref_slice %arg6[%add3A_348] : memref<5120000xf32, #tpu.memory_space<hbm>> -> memref<16000xf32, #tpu.memory_space<hbm>>
    %dma_wait3A_370 = tpu.memref_slice %arg6[%add3A_348] : memref<5120000xf32, #tpu.memory_space<hbm>> -> memref<16000xf32, #tpu.memory_space<hbm>>
    tpu.wait_dma2 semaphore(%arg28 : memref<!tpu.dma_semaphore, #tpu.memory_space<semaphore_mem>>) src(%arg12 : memref<16000xf32, #tpu.memory_space<vmem>>) dst(%dma_wait3A_370 : memref<16000xf32, #tpu.memory_space<hbm>>)
    %dma_wait3A_371 = tpu.memref_slice %arg6[%add3A_354] : memref<5120000xf32, #tpu.memory_space<hbm>> -> memref<16000xf32, #tpu.memory_space<hbm>>
    %dma_wait3A_372 = tpu.memref_slice %arg6[%add3A_354] : memref<5120000xf32, #tpu.memory_space<hbm>> -> memref<16000xf32, #tpu.memory_space<hbm>>
    tpu.wait_dma2 semaphore(%arg29 : memref<!tpu.dma_semaphore, #tpu.memory_space<semaphore_mem>>) src(%arg13 : memref<16000xf32, #tpu.memory_space<vmem>>) dst(%dma_wait3A_372 : memref<16000xf32, #tpu.memory_space<hbm>>)
    return
  }
}

</mosaic_0001>

<sc_bundles>
// kernel: kernel.3.cloned.1.call-start
scs
__scs_entry_jumppad:
0x0: {  	(pc) =	sbr.rel $0x88, $3  }
0x1: {  	(tag) =	ssettag $0x0;
	lr =	simm.s32 $0x1  }
0x2: {  	[smem:$0x3F9F] =	sst lr;
	_ =	strace $0xD0000000  }
0x3: {  	_ = 	snop  }
0x4: {  	_ = 	snop  }
0x5: {  	_ = 	snop  }
0x6: {  	_ = 	snop  }
0x7: {  	_ = 	snop  }
__scs_overlays_trampoline_lowered:
0x8: {  	[smem:$0x3FAE] =	sst s0  }
0x9: {  	[smem:$0x3FAF] =	sst s1  }
0xa: {  	[smem:$0x3FB0] =	sst s2  }
0xb: {  	[smem:$0x3FB1] =	sst s3  }
0xc: {  	[smem:$0x3FB2] =	sst s4  }
0xd: {  	[smem:$0x3FB3] =	sst s5  }
0xe: {  	[smem:$0x3FB4] =	sst s6  }
0xf: {  	[smem:$0x3FB5] =	sst s7  }
0x10: {  	[smem:$0x3FB6] =	sst s8  }
0x11: {  	[smem:$0x3FB7] =	sst s9;
	s0 =	simm.s32 @!p0 $0x0  }
0x12: {  	s1 =	sld [smem:$0x3F9D];
	s0 =	simm.s32 @p0 $0x1  }
0x13: {  	[smem:$0x3FB8] =	sst s0;
	s0 =	simm.s32 @!p1 $0x0  }
0x14: {  	s2 =	sld [smem:$0x3F9C];
	s0 =	simm.s32 @p1 $0x1  }
0x15: {  	[smem:$0x3FB9] =	sst s0;
	s0 =	simm.s32 @!p2 $0x0  }
0x16: {  	s3 =	sld [smem:$0x3FDB];
	s0 =	simm.s32 @p2 $0x1  }
0x17: {  	s4 =	simm.s32 $0x1BF5;
	[smem:$0x3FBB] =	sst s0  }
0x18: {  	s0 =	sld [smem:$0x3F9E];
	_ =	swait.ge [sflag:s4], $0x0  }
0x19: {  	s7 =	sld [smem:$0x3F9F]  }
0x1a: {  	s8 =	sadd.s32 $0xFFFFE003, lr  }
0x1b: {  	s9 =	sadd.s32 $0xFFFFFEF7, lr;
	s5 =	simm.s32 $0xFFFFFFFF;
	p2 =	slt.u32 s8, $0xFFFFF086  }
0x1c: {  	p1 =	slt.u32 s9, $0xF7A;
	s5 =	simm.s32 @!p2 $0x0  }
0x1d: {  	s5 =	simm.s32 @p1 $0x1;
	p0 =	seq.s32 s7, s2  }
0x1e: {  	s7 =	smul.u32 @!p0 $0xF7A, s2;
	p2 =	seq.s32 @!p0 s5, $0x0  }
0x1f: {  	s9 =	smul.u32 $0xF7A, s1;
	s8 =	simm.s32 @!p0 $0x1BF5;
	p2 =	por !p2, p0  }
0x20: {  	[sflag:s8] =	ssyncset.s32 @!p0 $0xFFFFF086;
	s6 =	sadd.s32 @!p0 s3, s7;
	s7 =	simm.s32 @!p0 $0x108  }
0x21: {  	s3 =	sadd.s32 s3, s9;
	s6 =	sadd.s32 @!p0 $0x88, s6;
	s7 =	simm.s32 @p2 $0x1082  }
0x22: {  	[simem:s7], [sflag:s8] =	dma.local @!p0 [hbm:s6], $0xF7A  }
0x23: {  	s9 =	sor.u32 $0xD0000000, s2;
	s6 =	simm.s32 $0x108;
	_ =	swait.ge @!p0 [sflag:s8], $0x0  }
0x24: {  	s3 =	sadd.s32 $0x88, s3;
	s6 =	simm.s32 @!p1 $0x1082;
	[sflag:s4] =	ssyncset.s32 $0xFFFFF086  }
0x25: {  	[simem:s6], [sflag:s4] =	dma.local [hbm:s3], $0xF7A  }
0x26: {  	[smem:$0x3F9F] =	sst s1;
	(tag) =	ssettag s2;
	_ =	strace s9  }
0x27: {  	s1 =	sld [smem:$0x3FAF]  }
0x28: {  	s2 =	sld [smem:$0x3FB0]  }
0x29: {  	s4 =	sld [smem:$0x3FB2]  }
0x2a: {  	p0 =	seq.s32 s5, $0x0;
	s5 =	sld [smem:$0x3FB3]  }
0x2b: {  	s6 =	sld [smem:$0x3FB4]  }
0x2c: {  	s7 =	sld [smem:$0x3FB5]  }
0x2d: {  	s3 =	simm.s32 $0x108;
	s8 =	sld [smem:$0x3FB6]  }
0x2e: {  	s3 =	simm.s32 @!p0 $0x1082;
	s9 =	sld [smem:$0x3FB7]  }
0x2f: {  	lr =	sadd.s32 s0, s3;
	s0 =	sld [smem:$0x3FAE]  }
0x30: {  	s3 =	sld [smem:$0x3FB1]  }
0x31: {  	[smem:$0x3FBA] =	sst s10  }
0x32: {  	s10 =	sld [smem:$0x3FB8];
	_ =	sdelay $0x3  }
0x33: {  	p0 =	seq.s32 s10, $0x1;
	s10 =	sld [smem:$0x3FBA];
	_ =	sdelay $0x3  }
0x34: {  	[smem:$0x3FBA] =	sst s10  }
0x35: {  	s10 =	sld [smem:$0x3FB9];
	_ =	sdelay $0x3  }
0x36: {  	p1 =	seq.s32 s10, $0x1;
	s10 =	sld [smem:$0x3FBA];
	_ =	sdelay $0x3  }
0x37: {  	[smem:$0x3FBA] =	sst s10  }
0x38: {  	s10 =	sld [smem:$0x3FBB]  }
0x39: {  	_ = 	snop;
	(pc) =	sbr.ind lr, $3  }
0x3a: {  	_ = 	snop  }
0x3b: {  	_ = 	snop  }
0x3c: {  	p2 =	seq.s32 s10, $0x1;
	s10 =	sld [smem:$0x3FBA]  }
0x3d: {  	_ =	shalt  }
0x3e: {  	_ =	shalt  }
0x3f: {  	_ =	shalt  }
0x40: {  	_ =	shalt  }
0x41: {  	_ =	shalt  }
0x42: {  	_ =	shalt  }
0x43: {  	_ =	shalt  }
0x44: {  	_ =	shalt  }
0x45: {  	_ =	shalt  }
0x46: {  	_ =	shalt  }
0x47: {  	_ =	shalt  }
0x48: {  	_ =	shalt  }
0x49: {  	_ =	shalt  }
0x4a: {  	_ =	shalt  }
0x4b: {  	_ =	shalt  }
0x4c: {  	_ =	shalt  }
0x4d: {  	_ =	shalt  }
0x4e: {  	_ =	shalt  }
0x4f: {  	_ =	shalt  }
0x50: {  	_ =	shalt  }
0x51: {  	_ =	shalt  }
0x52: {  	_ =	shalt  }
0x53: {  	_ =	shalt  }
0x54: {  	_ =	shalt  }
0x55: {  	_ =	shalt  }
0x56: {  	_ =	shalt  }
0x57: {  	_ =	shalt  }
0x58: {  	_ =	shalt  }
0x59: {  	_ =	shalt  }
0x5a: {  	_ =	shalt  }
0x5b: {  	_ =	shalt  }
0x5c: {  	_ =	shalt  }
0x5d: {  	_ =	shalt  }
0x5e: {  	_ =	shalt  }
0x5f: {  	_ =	shalt  }
0x60: {  	_ =	shalt  }
0x61: {  	_ =	shalt  }
0x62: {  	_ =	shalt  }
0x63: {  	_ =	shalt  }
0x64: {  	_ =	shalt  }
0x65: {  	_ =	shalt  }
0x66: {  	_ =	shalt  }
0x67: {  	_ =	shalt  }
0x68: {  	_ =	shalt  }
0x69: {  	_ =	shalt  }
0x6a: {  	_ =	shalt  }
0x6b: {  	_ =	shalt  }
0x6c: {  	_ =	shalt  }
0x6d: {  	_ =	shalt  }
0x6e: {  	_ =	shalt  }
0x6f: {  	_ =	shalt  }
0x70: {  	_ =	shalt  }
0x71: {  	_ =	shalt  }
0x72: {  	_ =	shalt  }
0x73: {  	_ =	shalt  }
0x74: {  	_ =	shalt  }
0x75: {  	_ =	shalt  }
0x76: {  	_ =	shalt  }
0x77: {  	_ =	shalt  }
0x78: {  	_ =	shalt  }
0x79: {  	_ =	shalt  }
0x7a: {  	_ =	shalt  }
0x7b: {  	_ =	shalt  }
0x7c: {  	_ =	shalt  }
0x7d: {  	_ =	shalt  }
0x7e: {  	_ =	shalt  }
0x7f: {  	_ =	shalt  }
0x80: {  	_ =	shalt  }
0x81: {  	_ =	shalt  }
0x82: {  	_ =	shalt  }
0x83: {  	_ =	shalt  }
0x84: {  	_ =	shalt  }
0x85: {  	_ =	shalt  }
0x86: {  	_ =	shalt  }
0x87: {  	_ =	shalt  }
.Lfunc_end0:
.L_simem_size_0:
called_computation_lowered:
.L_overlay_start_0:
0x88: {  	s2 =	sld [smem:$0x3FD9]  }
0x89: {  	s3 =	sld [smem:$0x3FFE];
	_ =	sdelay $0x1  }
0x8a: {  	s1 =	srdreg.scid  }
0x8b: {  	s0 =	sand.u32 $0x1, s1  }
0x8c: {  	s14 =	sshll.u32 s0, $0xA;
	s2 =	sadd.s32 s3, s2  }
0x8d: {  	s2 =	sadd.s32 s2, s14  }
0x8e: {  	[smem:$0x3FC6] =	sst s2  }
0x8f: {  	_ = 	snop  }
0x90: {  	s2 =	sld [smem:$0x3FD0];
	_ =	sdelay $0x1  }
0x91: {  	s15 =	sld [smem:$0x3FC9]  }
0x92: {  	s5 =	simm.s32 $0xA;
	s6 =	simm.s32 $0x10;
	s4 =	sld [smem:$0x3FC8]  }
0x93: {  	[smem:s6], [sflag:s5] =	dma.local [hbm:s2], $0x1  }
0x94: {  	_ =	swait.eq [sflag:s5], $0x1  }
0x95: {  	[sflag:s5] =	ssyncset.done $0x0  }
0x96: {  	s16 =	sld [smem:$0x10];
	[sflag:s5] =	ssyncadd.s32 $0xFFFFFFFF  }
0x97: {  	s17 =	sld [smem:$0x11];
	(tm) =	ssettm $0x1  }
0x98: {  	s18 =	sld [smem:$0x3FFB];
	_ =	sdelay $0x3  }
0x99: {  	_ =	strace s18  }
0x9a: {  	s6 =	sld [smem:$0x3FFC];
	_ =	sdelay $0x3  }
0x9b: {  	_ =	strace s6  }
0x9c: {  	s6 =	sld [smem:$0x3FFD];
	_ =	sdelay $0x3  }
0x9d: {  	_ =	strace s6  }
0x9e: {  	_ =	strace $0x8FFFFFFF  }
0x9f: {  	s19 =	sld [smem:$0x3FDB];
	_ =	sdelay $0x1  }
0xa0: {  	s7 =	simm.s32 $_scs_section_size  }
0xa1: {  	s8 =	simm.s32 $_size__tile_overlayer_lowered;
	s9 =	simm.s32 $_tile_overlayer_lowered  }
0xa2: {  	s22 =	simm.s32 $0x1BFF;
	s21 =	sshll.u32 s9, $0x1;
	s6 =	sadd.s32 s7, s19  }
0xa3: {  	s10 =	simm.s32 $0x0;
	s20 =	sshll.u32 s8, $0x1;
	s8 =	sadd.s32 s21, s6  }
0xa4: {  	[timem:s10], [sflag:s22] =	dma.local [hbm:s8], s20  }
0xa5: {  	_ =	swait.ge [sflag:s22], s20  }
0xa6: {  	s7 =	ssub.s32 $0x0, s20;
	[sflag:s22] =	ssyncset.done $0x0  }
0xa7: {  	[sflag:s22] =	ssyncadd.s32 s7;
	_ =	sdelay $0x1  }
0xa8: {  	s23 =	simm.s32 $0x1B8B  }
0xa9: {  	_ =	swait.ge [sflag:s23], $0x1  }
0xaa: {  	[sflag:s23] =	ssyncset.done $0x0  }
0xab: {  	s25 =	simm.s32 $0x1B8E;
	s24 =	sld [smem:$0x3FFE];
	[sflag:s23] =	ssyncadd.s32 $0xFFFFFFFF  }
0xac: {  	s26 =	simm.s32 $execute0_lowered;
	[smem:$0x3FD2] =	sst s25  }
0xad: {  	s8 =	sshll.u32 s26, $0x1;
	_ =	strace $0x80000046;
	[dreg:$0x1] =	wrdreg $0xFFFFFFFF  }
0xae: {  	s28 =	simm.s32 $_size_execute0_lowered;
	s6 =	sadd.s32 s6, s8;
	[dreg:$0x0] =	wrdreg $0x0  }
0xaf: {  	s8 =	sshll.u32 s28, $0x1;
	[dreg:$0x2] =	wrdreg s6  }
0xb0: {  	[dreg:$0x3] =	wrdreg s8  }
0xb1: {  	[dreg:$0x4] =	wrdreg $0xC0  }
0xb2: {  	_ =	task [dreg:s10], $0x5FFFF  }
0xb3: {  	[dreg:$0x1] =	wrdreg $0xFFFFFFFF  }
0xb4: {  	[dreg:$0x0] =	wrdreg $0x60  }
0xb5: {  	[dreg:$0x2] =	wrdreg s15  }
0xb6: {  	[dreg:$0x3] =	wrdreg s4  }
0xb7: {  	[dreg:$0x4] =	wrdreg s24  }
0xb8: {  	[dreg:$0x5] =	wrdreg s16  }
0xb9: {  	[dreg:$0x6] =	wrdreg s17  }
0xba: {  	[dreg:$0x7] =	wrdreg $0x9  }
0xbb: {  	_ =	task.clear_ibuf [dreg:s10], $0x8FFFF;
	_ =	strace $0x90000046  }
0xbc: {  	s29 =	simm.s32 $0x9;
	_ =	strace $0x80000048  }
0xbd: {  	_ =	swait.ge [sflag:s29], $0x1  }
0xbe: {  	[sflag:s29] =	ssyncadd.s32 $0xFFFFFFFF  }
0xbf: {  	_ =	strace $0x90000048  }
0xc0: {  	_ =	sfence  }
0xc1: {  	s30 =	sld [smem:$0x0];
	_ =	sdelay $0x2  }
0xc2: {  	s31 =	sshll.u32 s1, $0xD;
	s1 =	sshrl.u32 s1, $0x2  }
0xc3: {  	s3 =	sand.u32 $0x4000, s31;
	s1 =	sadd.s32 s1, s30  }
0xc4: {  	s0 =	sor.u32 s3, s0;
	s1 =	sshll.u32 s1, $0x11  }
0xc5: {  	s0 =	sor.u32 s1, s0  }
0xc6: {  	s0 =	sadd.s32 $0x8F2B, s0  }
0xc7: {  	[sflag:s0] =	ssyncadd.remote.s32 $0x1  }
0xc8: {  	_ =	sfence.sel $0xFFFF  }
0xc9: {  	[dreg:$0x0] =	wrdreg $0xFFFFFFFF;
	(pc) =	sbr.abs _section_cstart, $3  }
0xca: {  	[dreg:$0x1] =	wrdreg $0xFFFFFFFF  }
0xcb: {  	_ =	task.clear_ibuf [dreg:s10], $0x2FFFF;
	_ =	strace $0x9FFFFFFF  }
0xcc: {  	(tm) =	ssettm $0x7FFFFFFF  }
0xcd: {  	_ =	shalt  }
tec
execute0_lowered:
.L_overlay_start_1:
0x0: {  	(tag) =	ssettag $0x1  }
0x1: {  	s11 =	rddreg [dreg:$0x0]  }
0x2: {  	s3 =	rddreg [dreg:$0x1]  }
0x3: {  	s0 =	srdreg.scid;
	s12 =	stileid.u32  }
0x4: {  	s4 =	rddreg [dreg:$0x2];
	s1 =	sand.u32 $0x1, s0;
	s15 =	sshll.u32 s12, $0x1  }
0x5: {  	s5 =	rddreg [dreg:$0x3];
	s6 =	sor.u32 s1, s15  }
0x6: {  	s14 =	rddreg [dreg:$0x5];
	s7 =	smul.u32 $0x4E200, s6;
	s8 =	sshll.u32 s6, $0x4  }
0x7: {  	s2 =	simm.s32 $0x0;
	s0 =	rddreg [dreg:$0x4];
	s4 =	sadd.s32 s8, s4  }
0x8: {  	[smem:$0x7FF] =	sst s2;
	s7 =	sshrl.u32 s7, $0x3;
	s4 =	sadd.s32 $0x800, s4  }
0x9: {  	_ =	strace $0x80000047;
	s9 =	sadd.s32 s5, s7;
	[dreg:$0x6] =	wrdreg s4  }
0xa: {  	s16 =	sadd.s32 $0x7D0, s9;
	[smem:$0x7EF] =	sst s9  }
0xb: {  	s17 =	sadd.s32 $0xFA0, s9;
	[dreg:$0x7] =	wrdreg s16  }
0xc: {  	s18 =	sadd.s32 $0x1770, s9;
	[dreg:$0x8] =	wrdreg s17  }
0xd: {  	s19 =	sadd.s32 $0x1F40, s9;
	[dreg:$0x9] =	wrdreg s18  }
0xe: {  	s20 =	sadd.s32 $0x2710, s9;
	[dreg:$0xa] =	wrdreg s19  }
0xf: {  	s21 =	sadd.s32 $0x2EE0, s9;
	[dreg:$0xb] =	wrdreg s20  }
0x10: {  	s22 =	sadd.s32 $0x36B0, s9;
	[dreg:$0xc] =	wrdreg s21  }
0x11: {  	s23 =	sadd.s32 $0x3E80, s9;
	[dreg:$0xd] =	wrdreg s22  }
0x12: {  	s24 =	sadd.s32 $0x4650, s9;
	[dreg:$0xe] =	wrdreg s23  }
0x13: {  	s25 =	sadd.s32 $0x4E20, s9;
	[dreg:$0xf] =	wrdreg s24  }
0x14: {  	s26 =	sadd.s32 $0x55F0, s9;
	[dreg:$0x10] =	wrdreg s25  }
0x15: {  	s5 =	sadd.s32 $0x5DC0, s9;
	[dreg:$0x11] =	wrdreg s26  }
0x16: {  	s30 =	simm.s32 $0x17780;
	s8 =	sadd.s32 $0x6590, s9;
	[dreg:$0x12] =	wrdreg s5  }
0x17: {  	s28 =	simm.s32 $0xA;
	s10 =	sadd.s32 $0x6D60, s9;
	[dreg:$0x13] =	wrdreg s8  }
0x18: {  	p0 =	por $0x0, $0x0;
	s13 =	sadd.s32 $0x7530, s9;
	[dreg:$0x14] =	wrdreg s10  }
0x19: {  	s29 =	simm.s32 $0x8;
	[dreg:$0x15] =	wrdreg s13;
	s16 =	sadd.s32 $0x7D00, s9  }
0x1a: {  	s7 =	smul.u32 $0x27100, s6;
	s19 =	sadd.s32 $0x84D0, s9;
	[dreg:$0x17] =	wrdreg s16  }
0x1b: {  	s1 =	ssub.s32 $0x2, s1;
	s22 =	sadd.s32 $0x8CA0, s9;
	[dreg:$0x19] =	wrdreg s19  }
0x1c: {  	s5 =	sshrl.u32 s7, $0x3;
	s25 =	sadd.s32 $0x9470, s9;
	[dreg:$0x1b] =	wrdreg s22  }
0x1d: {  	s15 =	sadd.s32 s3, s5;
	s17 =	sadd.s32 $0x7D0, s5;
	[dreg:$0x1d] =	wrdreg s25  }
0x1e: {  	s20 =	sadd.s32 $0xFA0, s5;
	[dreg:$0x16] =	wrdreg s15;
	s18 =	sadd.s32 s3, s17  }
0x1f: {  	s23 =	sadd.s32 $0x1770, s5;
	s21 =	sadd.s32 s3, s20;
	[dreg:$0x18] =	wrdreg s18  }
0x20: {  	s26 =	sadd.s32 $0x1F40, s5;
	s24 =	sadd.s32 s3, s23;
	[dreg:$0x1a] =	wrdreg s21  }
0x21: {  	s9 =	sshrl.u32 s1, $0x1;
	s13 =	sadd.s32 s3, s26;
	[dreg:$0x1c] =	wrdreg s24  }
0x22: {  	s10 =	sadd.s32 $0x2710, s5;
	s15 =	sadd.s32 s0, s5;
	[dreg:$0x1e] =	wrdreg s13  }
0x23: {  	s1 =	ssub.s32 s1, s9;
	s16 =	sadd.s32 s3, s10;
	[dreg:$0x1f] =	wrdreg s15  }
0x24: {  	s17 =	sadd.s32 s0, s17;
	s20 =	sadd.s32 s0, s20;
	[smem:$0x7F0] =	sst s16  }
0x25: {  	s23 =	sadd.s32 s0, s23;
	s26 =	sadd.s32 s0, s26;
	[smem:$0x7F1] =	sst s17  }
0x26: {  	s4 =	sadd.s32 s0, s10;
	s10 =	smax.u32 s1, $0x1;
	[smem:$0x7F3] =	sst s20  }
0x27: {  	s1 =	simm.s32 $0x11;
	s18 =	sadd.s32 $0x2EE0, s5;
	[smem:$0x7F5] =	sst s23  }
0x28: {  	s21 =	sadd.s32 $0x36B0, s5;
	s24 =	sadd.s32 $0x3E80, s5;
	[smem:$0x7F7] =	sst s26  }
0x29: {  	s5 =	sadd.s32 $0x4650, s5;
	[smem:$0x7F9] =	sst s4;
	s17 =	simm.s32 $0xBC00  }
0x2a: {  	s16 =	simm.s32 $0xFA80;
	s23 =	simm.s32 $0x1;
	s20 =	simm.s32 $0x3  }
0x2b: {  	s15 =	simm.s32 $0x5;
	s13 =	simm.s32 $0x6;
	s26 =	simm.s32 $0xB  }
0x2c: {  	p1 =	sne.s32 s10, $0x1;
	s31 =	sadd.s32 $0xFFFFFFFF, s10;
	s19 =	sadd.s32 s3, s18  }
0x2d: {  	s4 =	simm.s32 $0xE;
	s22 =	sadd.s32 s3, s21;
	[smem:$0x7F2] =	sst s19  }
0x2e: {  	s10 =	simm.s32 $0x10;
	s25 =	sadd.s32 s3, s24;
	[smem:$0x7F4] =	sst s22  }
0x2f: {  	s3 =	sadd.s32 s3, s5;
	s6 =	sadd.s32 s0, s18;
	[smem:$0x7F6] =	sst s25  }
0x30: {  	s7 =	sadd.s32 s0, s21;
	s8 =	sadd.s32 s0, s24;
	[smem:$0x7F8] =	sst s3  }
0x31: {  	s0 =	sadd.s32 s0, s5;
	s24 =	simm.s32 $0x3F00;
	[smem:$0x7FA] =	sst s6  }
.Ltmp0:
0x32: {  	s21 =	simm.s32 $0x2;
	[smem:$0x7FB] =	sst s7;
	(pc) =	sbr.rel @!p1 .LBB2_1-.Ltmp0, $4  }
0x33: {  	s18 =	simm.s32 $0x4;
	s5 =	simm.s32 $0xF;
	[smem:$0x7FC] =	sst s8  }
0x34: {  	[smem:$0x7FD] =	sst s0;
	s25 =	simm.s32 $0x80;
	s22 =	simm.s32 $0x7D80  }
0x35: {  	s19 =	simm.s32 $0x13900;
	s6 =	simm.s32 $0x1B600;
	s8 =	simm.s32 $0x9  }
0x36: {  	s3 =	simm.s32 $0xC;
	s7 =	simm.s32 $0xD;
	s0 =	rddreg [dreg:$0x6]  }
0x37: {  	[tilespmem:s2], [sflag:$0x11] =	stream.linear.gather [hbm4b:s0+s2], $0x80, $0x38;
	[tilespmem:$0x1F480] =	vst v63  }
0x38: {  	_ =	swait.ge [sflag:s1], $0x80  }
0x39: {  	[sflag:s1] =	ssyncset.done $0x0  }
0x3a: {  	[sflag:s1] =	ssyncadd.s32 $0xFFFFFF80  }
0x3b: {  	v0 =	vld [tilespmem:$0x0];
	_ =	sdelay $0x4  }
0x3c: {  	v0 =	vmul.u32 $0x27100, v0;
	_ =	sdelay $0x1  }
0x3d: {  	(v2sf) =	vpush v0, $0x0;
	_ =	sdelay $0xe  }
0x3e: {  	s1 =	spop (v2sf)  }
0x3f: {  	s12 =	sshrl.u32 s1, $0x3;
	s9 =	sadd.s32 $0x3E80, s1  }
0x40: {  	(v2sf) =	vpush v0, $0x1;
	s14 =	sadd.s32 $0x7D00, s1;
	s0 =	sadd.s32 s11, s12;
	s9 =	sshrl.u32 s9, $0x3  }
0x41: {  	[tilespmem:s25], [sflag:$0x1] =	stream.linear.gather [hbm4b:s0+s2], $0x3E80, $0x38;
	[tilespmem:$0x1F480] =	vst v63  }
0x42: {  	s12 =	sadd.s32 $0xBB80, s1;
	s0 =	sshrl.u32 s14, $0x3;
	s9 =	sadd.s32 s11, s9  }
0x43: {  	[tilespmem:s24], [sflag:$0x2] =	stream.linear.gather [hbm4b:s9+s2], $0x3E80, $0x38;
	[tilespmem:$0x1F480] =	vst v63  }
0x44: {  	s14 =	sadd.s32 $0xFA00, s1;
	s0 =	sadd.s32 s11, s0;
	s9 =	sshrl.u32 s12, $0x3  }
0x45: {  	[tilespmem:s22], [sflag:$0x3] =	stream.linear.gather [hbm4b:s0+s2], $0x3E80, $0x38;
	[tilespmem:$0x1F480] =	vst v63  }
0x46: {  	s9 =	sadd.s32 s11, s9;
	s0 =	sshrl.u32 s14, $0x3  }
0x47: {  	[tilespmem:s17], [sflag:$0x4] =	stream.linear.gather [hbm4b:s9+s2], $0x3E80, $0x38;
	[tilespmem:$0x1F480] =	vst v63  }
0x48: {  	s0 =	sadd.s32 s11, s0  }
0x49: {  	[tilespmem:s16], [sflag:$0x5] =	stream.linear.gather [hbm4b:s0+s2], $0x3E80, $0x38;
	[tilespmem:$0x1F480] =	vst v63  }
0x4a: {  	_ =	swait.ge [sflag:s23], $0x3E80  }
0x4b: {  	s14 =	sld [smem:$0x7EF]  }
0x4c: {  	s9 =	sadd.s32 $0x13880, s1;
	[sflag:s23] =	ssyncset.done $0x0  }
0x4d: {  	s12 =	sshrl.u32 s9, $0x3;
	[sflag:s23] =	ssyncadd.s32 $0xFFFFC180  }
0x4e: {  	[hbm4b:s14+s2] =	stream.linear.scatter [tilespmem:s25], [sflag:$0x9], $0x3E80, $0x38;
	[tilespmem:$0x1F480] =	vst v63  }
0x4f: {  	s9 =	sadd.s32 s11, s12;
	s0 =	spop (v2sf)  }
0x50: {  	[tilespmem:s19], [sflag:$0x6] =	stream.linear.gather [hbm4b:s9+s2], $0x3E80, $0x38;
	[tilespmem:$0x1F480] =	vst v63  }
0x51: {  	_ =	swait.ge [sflag:s21], $0x3E80  }
0x52: {  	s14 =	sadd.s32 $0x17700, s1;
	[sflag:s21] =	ssyncset.done $0x0  }
0x53: {  	s9 =	sshrl.u32 s14, $0x3;
	s12 =	rddreg [dreg:$0x7];
	[sflag:s21] =	ssyncadd.s32 $0xFFFFC180  }
0x54: {  	[hbm4b:s12+s2] =	stream.linear.scatter [tilespmem:s24], [sflag:$0xA], $0x3E80, $0x38;
	[tilespmem:$0x1F480] =	vst v63  }
0x55: {  	s9 =	sadd.s32 s11, s9  }
0x56: {  	[tilespmem:s30], [sflag:$0x7] =	stream.linear.gather [hbm4b:s9+s2], $0x3E80, $0x38;
	[tilespmem:$0x1F480] =	vst v63  }
0x57: {  	_ =	swait.ge [sflag:s20], $0x3E80  }
0x58: {  	s14 =	sadd.s32 $0x1B580, s1;
	[sflag:s20] =	ssyncset.done $0x0  }
0x59: {  	s9 =	sshrl.u32 s14, $0x3;
	s12 =	rddreg [dreg:$0x8];
	[sflag:s20] =	ssyncadd.s32 $0xFFFFC180  }
0x5a: {  	[hbm4b:s12+s2] =	stream.linear.scatter [tilespmem:s22], [sflag:$0xB], $0x3E80, $0x38;
	[tilespmem:$0x1F480] =	vst v63  }
0x5b: {  	s9 =	sadd.s32 s11, s9  }
0x5c: {  	[tilespmem:s6], [sflag:$0x8] =	stream.linear.gather [hbm4b:s9+s2], $0x3E80, $0x38;
	[tilespmem:$0x1F480] =	vst v63  }
0x5d: {  	_ =	swait.ge [sflag:s18], $0x3E80  }
0x5e: {  	[sflag:s18] =	ssyncset.done $0x0  }
0x5f: {  	s12 =	rddreg [dreg:$0x9];
	[sflag:s18] =	ssyncadd.s32 $0xFFFFC180  }
0x60: {  	[hbm4b:s12+s2] =	stream.linear.scatter [tilespmem:s17], [sflag:$0xC], $0x3E80, $0x38;
	[tilespmem:$0x1F480] =	vst v63  }
0x61: {  	s14 =	sadd.s32 $0x1F400, s1;
	_ =	swait.ge [sflag:s8], $0x3E80  }
0x62: {  	s9 =	sshrl.u32 s14, $0x3;
	[sflag:s8] =	ssyncset.done $0x0  }
0x63: {  	s9 =	sadd.s32 s11, s9;
	[sflag:s8] =	ssyncadd.s32 $0xFFFFC180  }
0x64: {  	[tilespmem:s25], [sflag:$0x1] =	stream.linear.gather [hbm4b:s9+s2], $0x3E80, $0x38;
	[tilespmem:$0x1F480] =	vst v63  }
0x65: {  	_ =	swait.ge [sflag:s15], $0x3E80  }
0x66: {  	[sflag:s15] =	ssyncset.done $0x0  }
0x67: {  	s12 =	rddreg [dreg:$0xa];
	[sflag:s15] =	ssyncadd.s32 $0xFFFFC180  }
0x68: {  	[hbm4b:s12+s2] =	stream.linear.scatter [tilespmem:s16], [sflag:$0xD], $0x3E80, $0x38;
	[tilespmem:$0x1F480] =	vst v63  }
0x69: {  	s1 =	sadd.s32 $0x23280, s1;
	_ =	swait.ge [sflag:s28], $0x3E80  }
0x6a: {  	s1 =	sshrl.u32 s1, $0x3;
	[sflag:s28] =	ssyncset.done $0x0  }
0x6b: {  	s1 =	sadd.s32 s11, s1;
	[sflag:s28] =	ssyncadd.s32 $0xFFFFC180  }
0x6c: {  	[tilespmem:s24], [sflag:$0x2] =	stream.linear.gather [hbm4b:s1+s2], $0x3E80, $0x38;
	[tilespmem:$0x1F480] =	vst v63  }
0x6d: {  	_ =	swait.ge [sflag:s13], $0x3E80  }
0x6e: {  	[sflag:s13] =	ssyncset.done $0x0  }
0x6f: {  	s14 =	rddreg [dreg:$0xb];
	[sflag:s13] =	ssyncadd.s32 $0xFFFFC180  }
0x70: {  	[hbm4b:s14+s2] =	stream.linear.scatter [tilespmem:s19], [sflag:$0xE], $0x3E80, $0x38;
	[tilespmem:$0x1F480] =	vst v63  }
0x71: {  	_ =	swait.ge [sflag:s26], $0x3E80  }
0x72: {  	s12 =	sshrl.u32 s0, $0x3;
	[sflag:s26] =	ssyncset.done $0x0  }
0x73: {  	s9 =	simm.s32 $0x7;
	s1 =	sadd.s32 s11, s12;
	[sflag:s26] =	ssyncadd.s32 $0xFFFFC180  }
0x74: {  	[tilespmem:s22], [sflag:$0x3] =	stream.linear.gather [hbm4b:s1+s2], $0x3E80, $0x38;
	[tilespmem:$0x1F480] =	vst v63  }
0x75: {  	_ =	swait.ge [sflag:s9], $0x3E80  }
0x76: {  	[sflag:s9] =	ssyncset.done $0x0  }
0x77: {  	s14 =	rddreg [dreg:$0xc];
	[sflag:s9] =	ssyncadd.s32 $0xFFFFC180  }
0x78: {  	[hbm4b:s14+s2] =	stream.linear.scatter [tilespmem:s30], [sflag:$0xF], $0x3E80, $0x38;
	[tilespmem:$0x1F480] =	vst v63  }
0x79: {  	s12 =	sadd.s32 $0x3E80, s0;
	_ =	swait.ge [sflag:s3], $0x3E80  }
0x7a: {  	s1 =	sshrl.u32 s12, $0x3;
	[sflag:s3] =	ssyncset.done $0x0  }
0x7b: {  	s1 =	sadd.s32 s11, s1;
	[sflag:s3] =	ssyncadd.s32 $0xFFFFC180  }
0x7c: {  	[tilespmem:s17], [sflag:$0x4] =	stream.linear.gather [hbm4b:s1+s2], $0x3E80, $0x38;
	[tilespmem:$0x1F480] =	vst v63  }
0x7d: {  	_ =	swait.ge [sflag:s29], $0x3E80  }
0x7e: {  	[sflag:s29] =	ssyncset.done $0x0  }
0x7f: {  	s14 =	rddreg [dreg:$0xd];
	[sflag:s29] =	ssyncadd.s32 $0xFFFFC180  }
0x80: {  	[hbm4b:s14+s2] =	stream.linear.scatter [tilespmem:s6], [sflag:$0x10], $0x3E80, $0x38;
	[tilespmem:$0x1F480] =	vst v63  }
0x81: {  	s12 =	sadd.s32 $0x7D00, s0;
	_ =	swait.ge [sflag:s7], $0x3E80  }
0x82: {  	s1 =	sshrl.u32 s12, $0x3;
	[sflag:s7] =	ssyncset.done $0x0  }
0x83: {  	s1 =	sadd.s32 s11, s1;
	[sflag:s7] =	ssyncadd.s32 $0xFFFFC180  }
0x84: {  	[tilespmem:s16], [sflag:$0x5] =	stream.linear.gather [hbm4b:s1+s2], $0x3E80, $0x38;
	[tilespmem:$0x1F480] =	vst v63  }
0x85: {  	_ =	swait.ge [sflag:s23], $0x3E80  }
0x86: {  	[sflag:s23] =	ssyncset.done $0x0  }
0x87: {  	s14 =	rddreg [dreg:$0xe];
	[sflag:s23] =	ssyncadd.s32 $0xFFFFC180  }
0x88: {  	[hbm4b:s14+s2] =	stream.linear.scatter [tilespmem:s25], [sflag:$0x9], $0x3E80, $0x38;
	[tilespmem:$0x1F480] =	vst v63  }
0x89: {  	s12 =	sadd.s32 $0xBB80, s0;
	_ =	swait.ge [sflag:s4], $0x3E80  }
0x8a: {  	s1 =	sshrl.u32 s12, $0x3;
	[sflag:s4] =	ssyncset.done $0x0  }
0x8b: {  	s1 =	sadd.s32 s11, s1;
	[sflag:s4] =	ssyncadd.s32 $0xFFFFC180  }
0x8c: {  	[tilespmem:s19], [sflag:$0x6] =	stream.linear.gather [hbm4b:s1+s2], $0x3E80, $0x38;
	[tilespmem:$0x1F480] =	vst v63  }
0x8d: {  	_ =	swait.ge [sflag:s21], $0x3E80  }
0x8e: {  	[sflag:s21] =	ssyncset.done $0x0  }
0x8f: {  	s14 =	rddreg [dreg:$0xf];
	[sflag:s21] =	ssyncadd.s32 $0xFFFFC180  }
0x90: {  	[hbm4b:s14+s2] =	stream.linear.scatter [tilespmem:s24], [sflag:$0xA], $0x3E80, $0x38;
	[tilespmem:$0x1F480] =	vst v63  }
0x91: {  	s12 =	sadd.s32 $0xFA00, s0;
	_ =	swait.ge [sflag:s5], $0x3E80  }
0x92: {  	s1 =	sshrl.u32 s12, $0x3;
	[sflag:s5] =	ssyncset.done $0x0  }
0x93: {  	s1 =	sadd.s32 s11, s1;
	[sflag:s5] =	ssyncadd.s32 $0xFFFFC180  }
0x94: {  	[tilespmem:s30], [sflag:$0x7] =	stream.linear.gather [hbm4b:s1+s2], $0x3E80, $0x38;
	[tilespmem:$0x1F480] =	vst v63  }
0x95: {  	_ =	swait.ge [sflag:s20], $0x3E80  }
0x96: {  	[sflag:s20] =	ssyncset.done $0x0  }
0x97: {  	s14 =	rddreg [dreg:$0x10];
	[sflag:s20] =	ssyncadd.s32 $0xFFFFC180  }
0x98: {  	[hbm4b:s14+s2] =	stream.linear.scatter [tilespmem:s22], [sflag:$0xB], $0x3E80, $0x38;
	[tilespmem:$0x1F480] =	vst v63  }
0x99: {  	s12 =	sadd.s32 $0x13880, s0;
	_ =	swait.ge [sflag:s10], $0x3E80  }
0x9a: {  	s1 =	sshrl.u32 s12, $0x3;
	[sflag:s10] =	ssyncset.done $0x0  }
0x9b: {  	s1 =	sadd.s32 s11, s1;
	[sflag:s10] =	ssyncadd.s32 $0xFFFFC180  }
0x9c: {  	[tilespmem:s6], [sflag:$0x8] =	stream.linear.gather [hbm4b:s1+s2], $0x3E80, $0x38;
	[tilespmem:$0x1F480] =	vst v63  }
0x9d: {  	_ =	swait.ge [sflag:s18], $0x3E80  }
0x9e: {  	[sflag:s18] =	ssyncset.done $0x0  }
0x9f: {  	s14 =	rddreg [dreg:$0x11];
	[sflag:s18] =	ssyncadd.s32 $0xFFFFC180  }
0xa0: {  	[hbm4b:s14+s2] =	stream.linear.scatter [tilespmem:s17], [sflag:$0xC], $0x3E80, $0x38;
	[tilespmem:$0x1F480] =	vst v63  }
0xa1: {  	s12 =	sadd.s32 $0x17700, s0;
	_ =	swait.ge [sflag:s8], $0x3E80  }
0xa2: {  	s1 =	sshrl.u32 s12, $0x3;
	[sflag:s8] =	ssyncset.done $0x0  }
0xa3: {  	s1 =	sadd.s32 s11, s1;
	[sflag:s8] =	ssyncadd.s32 $0xFFFFC180  }
0xa4: {  	[tilespmem:s25], [sflag:$0x1] =	stream.linear.gather [hbm4b:s1+s2], $0x3E80, $0x38;
	[tilespmem:$0x1F480] =	vst v63  }
0xa5: {  	_ =	swait.ge [sflag:s15], $0x3E80  }
0xa6: {  	[sflag:s15] =	ssyncset.done $0x0  }
0xa7: {  	s14 =	rddreg [dreg:$0x12];
	[sflag:s15] =	ssyncadd.s32 $0xFFFFC180  }
0xa8: {  	[hbm4b:s14+s2] =	stream.linear.scatter [tilespmem:s16], [sflag:$0xD], $0x3E80, $0x38;
	[tilespmem:$0x1F480] =	vst v63  }
0xa9: {  	s12 =	sadd.s32 $0x1B580, s0;
	_ =	swait.ge [sflag:s28], $0x3E80  }
0xaa: {  	s1 =	sshrl.u32 s12, $0x3;
	[sflag:s28] =	ssyncset.done $0x0  }
0xab: {  	s1 =	sadd.s32 s11, s1;
	[sflag:s28] =	ssyncadd.s32 $0xFFFFC180  }
0xac: {  	[tilespmem:s24], [sflag:$0x2] =	stream.linear.gather [hbm4b:s1+s2], $0x3E80, $0x38;
	[tilespmem:$0x1F480] =	vst v63  }
0xad: {  	_ =	swait.ge [sflag:s13], $0x3E80  }
0xae: {  	[sflag:s13] =	ssyncset.done $0x0  }
0xaf: {  	s14 =	rddreg [dreg:$0x13];
	[sflag:s13] =	ssyncadd.s32 $0xFFFFC180  }
0xb0: {  	[hbm4b:s14+s2] =	stream.linear.scatter [tilespmem:s19], [sflag:$0xE], $0x3E80, $0x38;
	[tilespmem:$0x1F480] =	vst v63  }
0xb1: {  	s12 =	sadd.s32 $0x1F400, s0;
	_ =	swait.ge [sflag:s26], $0x3E80  }
0xb2: {  	s1 =	sshrl.u32 s12, $0x3;
	[sflag:s26] =	ssyncset.done $0x0  }
0xb3: {  	s1 =	sadd.s32 s11, s1;
	[sflag:s26] =	ssyncadd.s32 $0xFFFFC180  }
0xb4: {  	[tilespmem:s22], [sflag:$0x3] =	stream.linear.gather [hbm4b:s1+s2], $0x3E80, $0x38;
	[tilespmem:$0x1F480] =	vst v63  }
0xb5: {  	_ =	swait.ge [sflag:s9], $0x3E80  }
0xb6: {  	[sflag:s9] =	ssyncset.done $0x0  }
0xb7: {  	s14 =	rddreg [dreg:$0x14];
	[sflag:s9] =	ssyncadd.s32 $0xFFFFC180  }
0xb8: {  	[hbm4b:s14+s2] =	stream.linear.scatter [tilespmem:s30], [sflag:$0xF], $0x3E80, $0x38;
	[tilespmem:$0x1F480] =	vst v63  }
0xb9: {  	s0 =	sadd.s32 $0x23280, s0;
	_ =	swait.ge [sflag:s3], $0x3E80  }
0xba: {  	s0 =	sshrl.u32 s0, $0x3;
	[sflag:s3] =	ssyncset.done $0x0  }
0xbb: {  	s0 =	sadd.s32 s11, s0;
	[sflag:s3] =	ssyncadd.s32 $0xFFFFC180  }
0xbc: {  	[tilespmem:s17], [sflag:$0x4] =	stream.linear.gather [hbm4b:s0+s2], $0x3E80, $0x38;
	[tilespmem:$0x1F480] =	vst v63  }
0xbd: {  	_ =	swait.ge [sflag:s29], $0x3E80  }
0xbe: {  	[sflag:s29] =	ssyncset.done $0x0  }
0xbf: {  	s1 =	rddreg [dreg:$0x15];
	[sflag:s29] =	ssyncadd.s32 $0xFFFFC180  }
0xc0: {  	[hbm4b:s1+s2] =	stream.linear.scatter [tilespmem:s6], [sflag:$0x10], $0x3E80, $0x38;
	[tilespmem:$0x1F480] =	vst v63  }
0xc1: {  	_ =	swait.ge [sflag:s7], $0x3E80  }
0xc2: {  	[sflag:s7] =	ssyncset.done $0x0  }
0xc3: {  	s12 =	rddreg [dreg:$0x16];
	[sflag:s7] =	ssyncadd.s32 $0xFFFFC180  }
0xc4: {  	[tilespmem:s16], [sflag:$0x5] =	stream.linear.gather [hbm4b:s12+s2], $0x3E80, $0x38;
	[tilespmem:$0x1F480] =	vst v63  }
0xc5: {  	_ =	swait.ge [sflag:s23], $0x3E80  }
0xc6: {  	[sflag:s23] =	ssyncset.done $0x0  }
0xc7: {  	s14 =	rddreg [dreg:$0x17];
	[sflag:s23] =	ssyncadd.s32 $0xFFFFC180  }
0xc8: {  	[hbm4b:s14+s2] =	stream.linear.scatter [tilespmem:s25], [sflag:$0x9], $0x3E80, $0x38;
	[tilespmem:$0x1F480] =	vst v63  }
0xc9: {  	_ =	swait.ge [sflag:s4], $0x3E80  }
0xca: {  	[sflag:s4] =	ssyncset.done $0x0  }
0xcb: {  	s1 =	rddreg [dreg:$0x18];
	[sflag:s4] =	ssyncadd.s32 $0xFFFFC180  }
0xcc: {  	[tilespmem:s19], [sflag:$0x6] =	stream.linear.gather [hbm4b:s1+s2], $0x3E80, $0x38;
	[tilespmem:$0x1F480] =	vst v63  }
0xcd: {  	_ =	swait.ge [sflag:s21], $0x3E80  }
0xce: {  	[sflag:s21] =	ssyncset.done $0x0  }
0xcf: {  	s12 =	rddreg [dreg:$0x19];
	[sflag:s21] =	ssyncadd.s32 $0xFFFFC180  }
0xd0: {  	[hbm4b:s12+s2] =	stream.linear.scatter [tilespmem:s24], [sflag:$0xA], $0x3E80, $0x38;
	[tilespmem:$0x1F480] =	vst v63  }
0xd1: {  	_ =	swait.ge [sflag:s5], $0x3E80  }
0xd2: {  	[sflag:s5] =	ssyncset.done $0x0  }
0xd3: {  	s14 =	rddreg [dreg:$0x1a];
	[sflag:s5] =	ssyncadd.s32 $0xFFFFC180  }
0xd4: {  	[tilespmem:s30], [sflag:$0x7] =	stream.linear.gather [hbm4b:s14+s2], $0x3E80, $0x38;
	[tilespmem:$0x1F480] =	vst v63  }
0xd5: {  	_ =	swait.ge [sflag:s20], $0x3E80  }
0xd6: {  	[sflag:s20] =	ssyncset.done $0x0  }
0xd7: {  	s1 =	rddreg [dreg:$0x1b];
	[sflag:s20] =	ssyncadd.s32 $0xFFFFC180  }
0xd8: {  	[hbm4b:s1+s2] =	stream.linear.scatter [tilespmem:s22], [sflag:$0xB], $0x3E80, $0x38;
	[tilespmem:$0x1F480] =	vst v63  }
0xd9: {  	_ =	swait.ge [sflag:s10], $0x3E80  }
0xda: {  	[sflag:s10] =	ssyncset.done $0x0  }
0xdb: {  	s12 =	rddreg [dreg:$0x1c];
	[sflag:s10] =	ssyncadd.s32 $0xFFFFC180  }
0xdc: {  	[tilespmem:s6], [sflag:$0x8] =	stream.linear.gather [hbm4b:s12+s2], $0x3E80, $0x38;
	[tilespmem:$0x1F480] =	vst v63  }
0xdd: {  	_ =	swait.ge [sflag:s18], $0x3E80  }
0xde: {  	[sflag:s18] =	ssyncset.done $0x0  }
0xdf: {  	s14 =	rddreg [dreg:$0x1d];
	[sflag:s18] =	ssyncadd.s32 $0xFFFFC180  }
0xe0: {  	[hbm4b:s14+s2] =	stream.linear.scatter [tilespmem:s17], [sflag:$0xC], $0x3E80, $0x38;
	[tilespmem:$0x1F480] =	vst v63  }
0xe1: {  	_ =	swait.ge [sflag:s8], $0x3E80  }
0xe2: {  	[sflag:s8] =	ssyncset.done $0x0  }
0xe3: {  	s1 =	rddreg [dreg:$0x1e];
	[sflag:s8] =	ssyncadd.s32 $0xFFFFC180  }
0xe4: {  	[tilespmem:s25], [sflag:$0x1] =	stream.linear.gather [hbm4b:s1+s2], $0x3E80, $0x38;
	[tilespmem:$0x1F480] =	vst v63  }
0xe5: {  	_ =	swait.ge [sflag:s15], $0x3E80  }
0xe6: {  	[sflag:s15] =	ssyncset.done $0x0  }
0xe7: {  	s12 =	rddreg [dreg:$0x1f];
	[sflag:s15] =	ssyncadd.s32 $0xFFFFC180  }
0xe8: {  	[hbm4b:s12+s2] =	stream.linear.scatter [tilespmem:s16], [sflag:$0xD], $0x3E80, $0x38;
	[tilespmem:$0x1F480] =	vst v63  }
0xe9: {  	_ =	swait.ge [sflag:s28], $0x3E80  }
0xea: {  	s14 =	sld [smem:$0x7F0]  }
0xeb: {  	[sflag:s28] =	ssyncset.done $0x0  }
0xec: {  	[sflag:s28] =	ssyncadd.s32 $0xFFFFC180  }
0xed: {  	[tilespmem:s24], [sflag:$0x2] =	stream.linear.gather [hbm4b:s14+s2], $0x3E80, $0x38;
	[tilespmem:$0x1F480] =	vst v63  }
0xee: {  	_ =	swait.ge [sflag:s13], $0x3E80  }
0xef: {  	s1 =	sld [smem:$0x7F1]  }
0xf0: {  	[sflag:s13] =	ssyncset.done $0x0  }
0xf1: {  	[sflag:s13] =	ssyncadd.s32 $0xFFFFC180  }
0xf2: {  	[hbm4b:s1+s2] =	stream.linear.scatter [tilespmem:s19], [sflag:$0xE], $0x3E80, $0x38;
	[tilespmem:$0x1F480] =	vst v63  }
0xf3: {  	_ =	swait.ge [sflag:s26], $0x3E80  }
0xf4: {  	s12 =	sld [smem:$0x7F2]  }
0xf5: {  	[sflag:s26] =	ssyncset.done $0x0  }
0xf6: {  	[sflag:s26] =	ssyncadd.s32 $0xFFFFC180  }
0xf7: {  	[tilespmem:s22], [sflag:$0x3] =	stream.linear.gather [hbm4b:s12+s2], $0x3E80, $0x38;
	[tilespmem:$0x1F480] =	vst v63  }
0xf8: {  	_ =	swait.ge [sflag:s9], $0x3E80  }
0xf9: {  	s14 =	sld [smem:$0x7F3]  }
0xfa: {  	[sflag:s9] =	ssyncset.done $0x0  }
0xfb: {  	[sflag:s9] =	ssyncadd.s32 $0xFFFFC180  }
0xfc: {  	[hbm4b:s14+s2] =	stream.linear.scatter [tilespmem:s30], [sflag:$0xF], $0x3E80, $0x38;
	[tilespmem:$0x1F480] =	vst v63  }
0xfd: {  	_ =	swait.ge [sflag:s3], $0x3E80  }
0xfe: {  	s1 =	sld [smem:$0x7F4]  }
0xff: {  	[sflag:s3] =	ssyncset.done $0x0  }
0x100: {  	[sflag:s3] =	ssyncadd.s32 $0xFFFFC180  }
0x101: {  	[tilespmem:s17], [sflag:$0x4] =	stream.linear.gather [hbm4b:s1+s2], $0x3E80, $0x38;
	[tilespmem:$0x1F480] =	vst v63  }
0x102: {  	_ =	swait.ge [sflag:s29], $0x3E80  }
0x103: {  	s9 =	sld [smem:$0x7F5]  }
0x104: {  	[sflag:s29] =	ssyncset.done $0x0  }
0x105: {  	[sflag:s29] =	ssyncadd.s32 $0xFFFFC180  }
0x106: {  	[hbm4b:s9+s2] =	stream.linear.scatter [tilespmem:s6], [sflag:$0x10], $0x3E80, $0x38;
	[tilespmem:$0x1F480] =	vst v63  }
0x107: {  	_ =	swait.ge [sflag:s7], $0x3E80  }
0x108: {  	s12 =	sld [smem:$0x7F6]  }
0x109: {  	[sflag:s7] =	ssyncset.done $0x0  }
0x10a: {  	[sflag:s7] =	ssyncadd.s32 $0xFFFFC180  }
0x10b: {  	[tilespmem:s16], [sflag:$0x5] =	stream.linear.gather [hbm4b:s12+s2], $0x3E80, $0x38;
	[tilespmem:$0x1F480] =	vst v63  }
0x10c: {  	_ =	swait.ge [sflag:s23], $0x3E80  }
0x10d: {  	s14 =	sld [smem:$0x7F7]  }
0x10e: {  	[sflag:s23] =	ssyncset.done $0x0  }
0x10f: {  	[sflag:s23] =	ssyncadd.s32 $0xFFFFC180  }
0x110: {  	[hbm4b:s14+s2] =	stream.linear.scatter [tilespmem:s25], [sflag:$0x9], $0x3E80, $0x38;
	[tilespmem:$0x1F480] =	vst v63  }
0x111: {  	_ =	swait.ge [sflag:s4], $0x3E80  }
0x112: {  	s23 =	sld [smem:$0x7F8]  }
0x113: {  	[sflag:s4] =	ssyncset.done $0x0  }
0x114: {  	[sflag:s4] =	ssyncadd.s32 $0xFFFFC180  }
0x115: {  	[tilespmem:s19], [sflag:$0x6] =	stream.linear.gather [hbm4b:s23+s2], $0x3E80, $0x38;
	[tilespmem:$0x1F480] =	vst v63  }
0x116: {  	_ =	swait.ge [sflag:s21], $0x3E80  }
0x117: {  	s1 =	sld [smem:$0x7F9]  }
0x118: {  	[sflag:s21] =	ssyncset.done $0x0  }
0x119: {  	[sflag:s21] =	ssyncadd.s32 $0xFFFFC180  }
0x11a: {  	[hbm4b:s1+s2] =	stream.linear.scatter [tilespmem:s24], [sflag:$0xA], $0x3E80, $0x38;
	[tilespmem:$0x1F480] =	vst v63  }
0x11b: {  	_ =	swait.ge [sflag:s20], $0x3E80  }
0x11c: {  	s9 =	sld [smem:$0x7FA]  }
0x11d: {  	[sflag:s20] =	ssyncset.done $0x0  }
0x11e: {  	[sflag:s20] =	ssyncadd.s32 $0xFFFFC180  }
0x11f: {  	[hbm4b:s9+s2] =	stream.linear.scatter [tilespmem:s22], [sflag:$0xB], $0x3E80, $0x38;
	[tilespmem:$0x1F480] =	vst v63  }
0x120: {  	_ =	swait.ge [sflag:s18], $0x3E80  }
0x121: {  	s12 =	sld [smem:$0x7FB]  }
0x122: {  	[sflag:s18] =	ssyncset.done $0x0  }
0x123: {  	[sflag:s18] =	ssyncadd.s32 $0xFFFFC180  }
0x124: {  	[hbm4b:s12+s2] =	stream.linear.scatter [tilespmem:s17], [sflag:$0xC], $0x3E80, $0x38;
	[tilespmem:$0x1F480] =	vst v63  }
0x125: {  	_ =	swait.ge [sflag:s15], $0x3E80  }
0x126: {  	s14 =	sld [smem:$0x7FC]  }
0x127: {  	[sflag:s15] =	ssyncset.done $0x0  }
0x128: {  	[sflag:s15] =	ssyncadd.s32 $0xFFFFC180  }
0x129: {  	[hbm4b:s14+s2] =	stream.linear.scatter [tilespmem:s16], [sflag:$0xD], $0x3E80, $0x38;
	[tilespmem:$0x1F480] =	vst v63  }
0x12a: {  	_ =	swait.ge [sflag:s13], $0x3E80  }
0x12b: {  	s23 =	sld [smem:$0x7FD]  }
0x12c: {  	[sflag:s13] =	ssyncset.done $0x0  }
0x12d: {  	[sflag:s13] =	ssyncadd.s32 $0xFFFFC180  }
0x12e: {  	[hbm4b:s23+s2] =	stream.linear.scatter [tilespmem:s19], [sflag:$0xE], $0x3E80, $0x38;
	[tilespmem:$0x1F480] =	vst v63  }
0x12f: {  	_ =	swait.ge [sflag:s5], $0x3E80  }
0x130: {  	[sflag:s5] =	ssyncset.done $0x0  }
0x131: {  	[sflag:s5] =	ssyncadd.s32 $0xFFFFC180  }
0x132: {  	_ =	swait.ge [sflag:s10], $0x3E80  }
0x133: {  	[sflag:s10] =	ssyncset.done $0x0  }
0x134: {  	[sflag:s10] =	ssyncadd.s32 $0xFFFFC180  }
0x135: {  	_ =	swait.ge [sflag:s8], $0x3E80  }
0x136: {  	[sflag:s8] =	ssyncset.done $0x0  }
0x137: {  	[sflag:s8] =	ssyncadd.s32 $0xFFFFC180  }
0x138: {  	_ =	swait.ge [sflag:s28], $0x3E80  }
0x139: {  	[sflag:s28] =	ssyncset.done $0x0  }
0x13a: {  	[sflag:s28] =	ssyncadd.s32 $0xFFFFC180  }
0x13b: {  	_ =	swait.ge [sflag:s26], $0x3E80  }
0x13c: {  	[sflag:s26] =	ssyncset.done $0x0  }
0x13d: {  	[sflag:s26] =	ssyncadd.s32 $0xFFFFC180  }
0x13e: {  	_ =	swait.ge [sflag:s3], $0x3E80  }
0x13f: {  	[sflag:s3] =	ssyncset.done $0x0  }
0x140: {  	p1 =	sne.s32 s31, $0x1;
	[sflag:s3] =	ssyncadd.s32 $0xFFFFC180  }
.Ltmp1:
0x141: {  	_ =	swait.ge [sflag:s7], $0x3E80;
	(pc) =	sbr.rel @!p1 .LBB2_7-.Ltmp1, $4  }
0x142: {  	[sflag:s7] =	ssyncset.done $0x0  }
0x143: {  	[sflag:s7] =	ssyncadd.s32 $0xFFFFC180  }
0x144: {  	s31 =	sadd.s32 $0xFFFFFFFF, s31;
	p0 =	por $0x1, $0x1;
	_ =	swait.ge [sflag:s4], $0x3E80  }
0x145: {  	s14 =	simm.s32 $0x1;
	s0 =	rddreg [dreg:$0x6];
	[sflag:s4] =	ssyncset.done $0x0  }
0x146: {  	s23 =	simm.s32 $0x7  }
.LBB2_4:
0x147: {  	[sflag:s4] =	ssyncadd.s32 $0xFFFFC180;
	s5 =	simm.s32 $0x11  }
0x148: {  	[tilespmem:s2], [sflag:$0x11] =	stream.linear.gather [hbm4b:s0+s2], $0x80, $0x38;
	[tilespmem:$0x1F480] =	vst v63  }
0x149: {  	_ =	swait.ge [sflag:s5], $0x80  }
0x14a: {  	[sflag:s5] =	ssyncset.done $0x0  }
0x14b: {  	[sflag:s5] =	ssyncadd.s32 $0xFFFFFF80  }
0x14c: {  	v0 =	vld [tilespmem:$0x0];
	_ =	sdelay $0x4  }
0x14d: {  	v0 =	vmul.u32 $0x27100, v0;
	_ =	sdelay $0x1  }
0x14e: {  	(v2sf) =	vpush v0, $0x0;
	_ =	sdelay $0xe  }
0x14f: {  	s6 =	spop (v2sf)  }
0x150: {  	s4 =	simm.s32 $0x7D80;
	s1 =	sshrl.u32 s6, $0x3;
	s9 =	sadd.s32 $0x3E80, s6  }
0x151: {  	(v2sf) =	vpush v0, $0x1;
	s10 =	sadd.s32 $0x7D00, s6;
	s1 =	sadd.s32 s11, s1;
	s9 =	sshrl.u32 s9, $0x3  }
0x152: {  	[tilespmem:s25], [sflag:$0x1] =	stream.linear.gather [hbm4b:s1+s2], $0x3E80, $0x38;
	[tilespmem:$0x1F480] =	vst v63  }
0x153: {  	s8 =	sadd.s32 $0xBB80, s6;
	s10 =	sshrl.u32 s10, $0x3;
	s7 =	sadd.s32 s11, s9  }
0x154: {  	[tilespmem:s24], [sflag:$0x2] =	stream.linear.gather [hbm4b:s7+s2], $0x3E80, $0x38;
	[tilespmem:$0x1F480] =	vst v63  }
0x155: {  	s12 =	sadd.s32 $0xFA00, s6;
	s13 =	sadd.s32 s11, s10;
	s9 =	sshrl.u32 s8, $0x3  }
0x156: {  	[tilespmem:s22], [sflag:$0x3] =	stream.linear.gather [hbm4b:s13+s2], $0x3E80, $0x38;
	[tilespmem:$0x1F480] =	vst v63  }
0x157: {  	s5 =	simm.s32 $0x3F00;
	s15 =	sshrl.u32 s12, $0x3;
	s18 =	sadd.s32 s11, s9  }
0x158: {  	[tilespmem:s17], [sflag:$0x4] =	stream.linear.gather [hbm4b:s18+s2], $0x3E80, $0x38;
	[tilespmem:$0x1F480] =	vst v63  }
0x159: {  	s20 =	sadd.s32 $0x13880, s6;
	s0 =	sadd.s32 $0x23280, s6;
	s24 =	sadd.s32 s11, s15  }
0x15a: {  	[tilespmem:s16], [sflag:$0x5] =	stream.linear.gather [hbm4b:s24+s2], $0x3E80, $0x38;
	[tilespmem:$0x1F480] =	vst v63  }
0x15b: {  	s8 =	sadd.s32 $0x1F400, s6;
	s9 =	sshrl.u32 s20, $0x3;
	_ =	swait.ge [sflag:s14], $0x3E80  }
0x15c: {  	s20 =	simm.s32 $0x4;
	s7 =	sadd.s32 $0x1B580, s6;
	s3 =	sld [smem:$0x7EF]  }
0x15d: {  	s9 =	sadd.s32 s11, s9;
	s1 =	sshrl.u32 s7, $0x3;
	[sflag:s14] =	ssyncset.done $0x0  }
0x15e: {  	s7 =	simm.s32 $0x1B600;
	s22 =	sadd.s32 $0x17700, s6;
	[sflag:s14] =	ssyncadd.s32 $0xFFFFC180  }
0x15f: {  	[hbm4b:s3+s2] =	stream.linear.scatter [tilespmem:s25], [sflag:$0x9], $0x3E80, $0x38;
	[tilespmem:$0x1F480] =	vst v63  }
0x160: {  	s26 =	sshrl.u32 s22, $0x3;
	s22 =	sshrl.u32 s8, $0x3;
	s16 =	spop (v2sf)  }
0x161: {  	[tilespmem:s19], [sflag:$0x6] =	stream.linear.gather [hbm4b:s9+s2], $0x3E80, $0x38;
	[tilespmem:$0x1F480] =	vst v63  }
0x162: {  	s8 =	simm.s32 $0x2;
	s17 =	sshrl.u32 s0, $0x3;
	_ =	swait.ge [sflag:s21], $0x3E80  }
0x163: {  	s26 =	sadd.s32 s11, s26;
	s14 =	sshrl.u32 s16, $0x3;
	[sflag:s8] =	ssyncset.done $0x0  }
0x164: {  	s10 =	sadd.s32 $0x7D00, s16;
	s29 =	rddreg [dreg:$0x7];
	[sflag:s8] =	ssyncadd.s32 $0xFFFFC180  }
0x165: {  	[hbm4b:s29+s2] =	stream.linear.scatter [tilespmem:s5], [sflag:$0xA], $0x3E80, $0x38;
	[tilespmem:$0x1F480] =	vst v63  }
0x166: {  	s13 =	sadd.s32 $0xBB80, s16;
	s0 =	sadd.s32 $0x1B580, s16;
	s21 =	simm.s32 $0x3  }
0x167: {  	[tilespmem:s30], [sflag:$0x7] =	stream.linear.gather [hbm4b:s26+s2], $0x3E80, $0x38;
	[tilespmem:$0x1F480] =	vst v63  }
0x168: {  	s3 =	simm.s32 $0xBC00;
	s9 =	sadd.s32 $0x3E80, s16;
	_ =	swait.ge [sflag:s21], $0x3E80  }
0x169: {  	s19 =	sadd.s32 $0xFA00, s16;
	s12 =	sshrl.u32 s9, $0x3;
	[sflag:s21] =	ssyncset.done $0x0  }
0x16a: {  	s25 =	sshrl.u32 s19, $0x3;
	s19 =	rddreg [dreg:$0x8];
	[sflag:s21] =	ssyncadd.s32 $0xFFFFC180  }
0x16b: {  	[hbm4b:s19+s2] =	stream.linear.scatter [tilespmem:s4], [sflag:$0xB], $0x3E80, $0x38;
	[tilespmem:$0x1F480] =	vst v63  }
0x16c: {  	s9 =	sshrl.u32 s13, $0x3;
	s13 =	simm.s32 $0x9;
	s19 =	sadd.s32 s11, s1  }
0x16d: {  	[tilespmem:s7], [sflag:$0x8] =	stream.linear.gather [hbm4b:s19+s2], $0x3E80, $0x38;
	[tilespmem:$0x1F480] =	vst v63  }
0x16e: {  	s8 =	sadd.s32 $0x13880, s16;
	s29 =	sadd.s32 $0x17700, s16;
	_ =	swait.ge [sflag:s20], $0x3E80  }
0x16f: {  	s26 =	sadd.s32 $0x1F400, s16;
	s16 =	sadd.s32 $0x23280, s16;
	[sflag:s20] =	ssyncset.done $0x0  }
0x170: {  	s1 =	sshrl.u32 s16, $0x3;
	s16 =	rddreg [dreg:$0x9];
	[sflag:s20] =	ssyncadd.s32 $0xFFFFC180  }
0x171: {  	[hbm4b:s16+s2] =	stream.linear.scatter [tilespmem:s3], [sflag:$0xC], $0x3E80, $0x38;
	[tilespmem:$0x1F480] =	vst v63  }
0x172: {  	_ =	swait.ge [sflag:s13], $0x3E80  }
0x173: {  	s6 =	simm.s32 $0x80;
	[sflag:s13] =	ssyncset.done $0x0  }
0x174: {  	s18 =	simm.s32 $0x5;
	s16 =	sadd.s32 s11, s22;
	[sflag:s13] =	ssyncadd.s32 $0xFFFFC180  }
0x175: {  	[tilespmem:s6], [sflag:$0x1] =	stream.linear.gather [hbm4b:s16+s2], $0x3E80, $0x38;
	[tilespmem:$0x1F480] =	vst v63  }
0x176: {  	_ =	swait.ge [sflag:s18], $0x3E80  }
0x177: {  	[sflag:s18] =	ssyncset.done $0x0  }
0x178: {  	s28 =	simm.s32 $0xFA80;
	s16 =	rddreg [dreg:$0xa];
	[sflag:s18] =	ssyncadd.s32 $0xFFFFC180  }
0x179: {  	[hbm4b:s16+s2] =	stream.linear.scatter [tilespmem:s28], [sflag:$0xD], $0x3E80, $0x38;
	[tilespmem:$0x1F480] =	vst v63  }
0x17a: {  	s28 =	simm.s32 $0xA  }
0x17b: {  	_ =	swait.ge [sflag:s28], $0x3E80  }
0x17c: {  	[sflag:s28] =	ssyncset.done $0x0  }
0x17d: {  	s13 =	simm.s32 $0x6;
	s16 =	sadd.s32 s11, s17;
	[sflag:s28] =	ssyncadd.s32 $0xFFFFC180  }
0x17e: {  	[tilespmem:s5], [sflag:$0x2] =	stream.linear.gather [hbm4b:s16+s2], $0x3E80, $0x38;
	[tilespmem:$0x1F480] =	vst v63  }
0x17f: {  	s30 =	sshrl.u32 s29, $0x3;
	s29 =	sshrl.u32 s0, $0x3;
	_ =	swait.ge [sflag:s13], $0x3E80  }
0x180: {  	s0 =	sshrl.u32 s26, $0x3;
	s26 =	simm.s32 $0xB;
	[sflag:s13] =	ssyncset.done $0x0  }
0x181: {  	s19 =	simm.s32 $0x13900;
	s16 =	rddreg [dreg:$0xb];
	[sflag:s13] =	ssyncadd.s32 $0xFFFFC180  }
0x182: {  	[hbm4b:s16+s2] =	stream.linear.scatter [tilespmem:s19], [sflag:$0xE], $0x3E80, $0x38;
	[tilespmem:$0x1F480] =	vst v63  }
0x183: {  	_ =	swait.ge [sflag:s26], $0x3E80  }
0x184: {  	[sflag:s26] =	ssyncset.done $0x0  }
0x185: {  	s14 =	sadd.s32 s11, s14;
	s22 =	simm.s32 $0x7D80;
	[sflag:s26] =	ssyncadd.s32 $0xFFFFC180  }
0x186: {  	[tilespmem:s22], [sflag:$0x3] =	stream.linear.gather [hbm4b:s14+s2], $0x3E80, $0x38;
	[tilespmem:$0x1F480] =	vst v63  }
0x187: {  	_ =	swait.ge [sflag:s23], $0x3E80  }
0x188: {  	s24 =	sshrl.u32 s8, $0x3;
	s8 =	simm.s32 $0x17780;
	[sflag:s23] =	ssyncset.done $0x0  }
0x189: {  	s3 =	simm.s32 $0xC;
	s14 =	rddreg [dreg:$0xc];
	[sflag:s23] =	ssyncadd.s32 $0xFFFFC180  }
0x18a: {  	[hbm4b:s14+s2] =	stream.linear.scatter [tilespmem:s8], [sflag:$0xF], $0x3E80, $0x38;
	[tilespmem:$0x1F480] =	vst v63  }
0x18b: {  	_ =	swait.ge [sflag:s3], $0x3E80  }
0x18c: {  	s15 =	simm.s32 $0x8;
	[sflag:s3] =	ssyncset.done $0x0  }
0x18d: {  	s12 =	sadd.s32 s11, s12;
	s17 =	simm.s32 $0xBC00;
	[sflag:s3] =	ssyncadd.s32 $0xFFFFC180  }
0x18e: {  	[tilespmem:s17], [sflag:$0x4] =	stream.linear.gather [hbm4b:s12+s2], $0x3E80, $0x38;
	[tilespmem:$0x1F480] =	vst v63  }
0x18f: {  	_ =	swait.ge [sflag:s15], $0x3E80  }
0x190: {  	[sflag:s15] =	ssyncset.done $0x0  }
0x191: {  	s12 =	rddreg [dreg:$0xd];
	[sflag:s15] =	ssyncadd.s32 $0xFFFFC180  }
0x192: {  	[hbm4b:s12+s2] =	stream.linear.scatter [tilespmem:s7], [sflag:$0x10], $0x3E80, $0x38;
	[tilespmem:$0x1F480] =	vst v63  }
0x193: {  	s7 =	simm.s32 $0xD  }
0x194: {  	s10 =	sshrl.u32 s10, $0x3;
	_ =	swait.ge [sflag:s7], $0x3E80  }
0x195: {  	s10 =	sadd.s32 s11, s10;
	[sflag:s7] =	ssyncset.done $0x0  }
0x196: {  	s16 =	simm.s32 $0xFA80;
	s14 =	simm.s32 $0x1;
	[sflag:s7] =	ssyncadd.s32 $0xFFFFC180  }
0x197: {  	[tilespmem:s16], [sflag:$0x5] =	stream.linear.gather [hbm4b:s10+s2], $0x3E80, $0x38;
	[tilespmem:$0x1F480] =	vst v63  }
0x198: {  	_ =	swait.ge [sflag:s14], $0x3E80  }
0x199: {  	[sflag:s14] =	ssyncset.done $0x0  }
0x19a: {  	s4 =	simm.s32 $0xE;
	s12 =	rddreg [dreg:$0xe];
	[sflag:s14] =	ssyncadd.s32 $0xFFFFC180  }
0x19b: {  	[hbm4b:s12+s2] =	stream.linear.scatter [tilespmem:s6], [sflag:$0x9], $0x3E80, $0x38;
	[tilespmem:$0x1F480] =	vst v63  }
0x19c: {  	_ =	swait.ge [sflag:s4], $0x3E80  }
0x19d: {  	[sflag:s4] =	ssyncset.done $0x0  }
0x19e: {  	s9 =	sadd.s32 s11, s9;
	s21 =	simm.s32 $0x2;
	[sflag:s4] =	ssyncadd.s32 $0xFFFFC180  }
0x19f: {  	[tilespmem:s19], [sflag:$0x6] =	stream.linear.gather [hbm4b:s9+s2], $0x3E80, $0x38;
	[tilespmem:$0x1F480] =	vst v63  }
0x1a0: {  	_ =	swait.ge [sflag:s21], $0x3E80  }
0x1a1: {  	[sflag:s21] =	ssyncset.done $0x0  }
0x1a2: {  	s12 =	rddreg [dreg:$0xf];
	[sflag:s21] =	ssyncadd.s32 $0xFFFFC180  }
0x1a3: {  	[hbm4b:s12+s2] =	stream.linear.scatter [tilespmem:s5], [sflag:$0xA], $0x3E80, $0x38;
	[tilespmem:$0x1F480] =	vst v63  }
0x1a4: {  	s5 =	simm.s32 $0xF  }
0x1a5: {  	_ =	swait.ge [sflag:s5], $0x3E80  }
0x1a6: {  	[sflag:s5] =	ssyncset.done $0x0  }
0x1a7: {  	s20 =	simm.s32 $0x3;
	s12 =	sadd.s32 s11, s25;
	[sflag:s5] =	ssyncadd.s32 $0xFFFFC180  }
0x1a8: {  	[tilespmem:s8], [sflag:$0x7] =	stream.linear.gather [hbm4b:s12+s2], $0x3E80, $0x38;
	[tilespmem:$0x1F480] =	vst v63  }
0x1a9: {  	_ =	swait.ge [sflag:s20], $0x3E80  }
0x1aa: {  	[sflag:s20] =	ssyncset.done $0x0  }
0x1ab: {  	s10 =	simm.s32 $0x10;
	s12 =	rddreg [dreg:$0x10];
	[sflag:s20] =	ssyncadd.s32 $0xFFFFC180  }
0x1ac: {  	[hbm4b:s12+s2] =	stream.linear.scatter [tilespmem:s22], [sflag:$0xB], $0x3E80, $0x38;
	[tilespmem:$0x1F480] =	vst v63  }
0x1ad: {  	_ =	swait.ge [sflag:s10], $0x3E80  }
0x1ae: {  	s18 =	simm.s32 $0x4;
	[sflag:s10] =	ssyncset.done $0x0  }
0x1af: {  	s6 =	simm.s32 $0x1B600;
	s12 =	sadd.s32 s11, s24;
	[sflag:s10] =	ssyncadd.s32 $0xFFFFC180  }
0x1b0: {  	[tilespmem:s6], [sflag:$0x8] =	stream.linear.gather [hbm4b:s12+s2], $0x3E80, $0x38;
	[tilespmem:$0x1F480] =	vst v63  }
0x1b1: {  	_ =	swait.ge [sflag:s18], $0x3E80  }
0x1b2: {  	[sflag:s18] =	ssyncset.done $0x0  }
0x1b3: {  	s8 =	simm.s32 $0x9;
	s12 =	rddreg [dreg:$0x11];
	[sflag:s18] =	ssyncadd.s32 $0xFFFFC180  }
0x1b4: {  	[hbm4b:s12+s2] =	stream.linear.scatter [tilespmem:s17], [sflag:$0xC], $0x3E80, $0x38;
	[tilespmem:$0x1F480] =	vst v63  }
0x1b5: {  	_ =	swait.ge [sflag:s8], $0x3E80  }
0x1b6: {  	s15 =	simm.s32 $0x5;
	[sflag:s8] =	ssyncset.done $0x0  }
0x1b7: {  	s25 =	simm.s32 $0x80;
	s12 =	sadd.s32 s11, s30;
	[sflag:s8] =	ssyncadd.s32 $0xFFFFC180  }
0x1b8: {  	[tilespmem:s25], [sflag:$0x1] =	stream.linear.gather [hbm4b:s12+s2], $0x3E80, $0x38;
	[tilespmem:$0x1F480] =	vst v63  }
0x1b9: {  	_ =	swait.ge [sflag:s15], $0x3E80  }
0x1ba: {  	[sflag:s15] =	ssyncset.done $0x0  }
0x1bb: {  	s12 =	rddreg [dreg:$0x12];
	[sflag:s15] =	ssyncadd.s32 $0xFFFFC180  }
0x1bc: {  	[hbm4b:s12+s2] =	stream.linear.scatter [tilespmem:s16], [sflag:$0xD], $0x3E80, $0x38;
	[tilespmem:$0x1F480] =	vst v63  }
0x1bd: {  	_ =	swait.ge [sflag:s28], $0x3E80  }
0x1be: {  	[sflag:s28] =	ssyncset.done $0x0  }
0x1bf: {  	s24 =	simm.s32 $0x3F00;
	s12 =	sadd.s32 s11, s29;
	[sflag:s28] =	ssyncadd.s32 $0xFFFFC180  }
0x1c0: {  	[tilespmem:s24], [sflag:$0x2] =	stream.linear.gather [hbm4b:s12+s2], $0x3E80, $0x38;
	[tilespmem:$0x1F480] =	vst v63  }
0x1c1: {  	_ =	swait.ge [sflag:s13], $0x3E80  }
0x1c2: {  	[sflag:s13] =	ssyncset.done $0x0  }
0x1c3: {  	s12 =	rddreg [dreg:$0x13];
	[sflag:s13] =	ssyncadd.s32 $0xFFFFC180  }
0x1c4: {  	[hbm4b:s12+s2] =	stream.linear.scatter [tilespmem:s19], [sflag:$0xE], $0x3E80, $0x38;
	[tilespmem:$0x1F480] =	vst v63  }
0x1c5: {  	_ =	swait.ge [sflag:s26], $0x3E80  }
0x1c6: {  	[sflag:s26] =	ssyncset.done $0x0  }
0x1c7: {  	s0 =	sadd.s32 s11, s0;
	s9 =	simm.s32 $0x7;
	[sflag:s26] =	ssyncadd.s32 $0xFFFFC180  }
0x1c8: {  	[tilespmem:s22], [sflag:$0x3] =	stream.linear.gather [hbm4b:s0+s2], $0x3E80, $0x38;
	[tilespmem:$0x1F480] =	vst v63  }
0x1c9: {  	_ =	swait.ge [sflag:s9], $0x3E80  }
0x1ca: {  	[sflag:s9] =	ssyncset.done $0x0  }
0x1cb: {  	s30 =	simm.s32 $0x17780;
	s12 =	rddreg [dreg:$0x14];
	[sflag:s9] =	ssyncadd.s32 $0xFFFFC180  }
0x1cc: {  	[hbm4b:s12+s2] =	stream.linear.scatter [tilespmem:s30], [sflag:$0xF], $0x3E80, $0x38;
	[tilespmem:$0x1F480] =	vst v63  }
0x1cd: {  	_ =	swait.ge [sflag:s3], $0x3E80  }
0x1ce: {  	[sflag:s3] =	ssyncset.done $0x0  }
0x1cf: {  	s29 =	simm.s32 $0x8;
	s12 =	sadd.s32 s11, s1;
	[sflag:s3] =	ssyncadd.s32 $0xFFFFC180  }
0x1d0: {  	[tilespmem:s17], [sflag:$0x4] =	stream.linear.gather [hbm4b:s12+s2], $0x3E80, $0x38;
	[tilespmem:$0x1F480] =	vst v63  }
0x1d1: {  	_ =	swait.ge [sflag:s29], $0x3E80  }
0x1d2: {  	[sflag:s29] =	ssyncset.done $0x0  }
0x1d3: {  	s1 =	rddreg [dreg:$0x15];
	[sflag:s29] =	ssyncadd.s32 $0xFFFFC180  }
0x1d4: {  	[hbm4b:s1+s2] =	stream.linear.scatter [tilespmem:s6], [sflag:$0x10], $0x3E80, $0x38;
	[tilespmem:$0x1F480] =	vst v63  }
0x1d5: {  	_ =	swait.ge [sflag:s7], $0x3E80  }
0x1d6: {  	[sflag:s7] =	ssyncset.done $0x0  }
0x1d7: {  	s12 =	rddreg [dreg:$0x16];
	[sflag:s7] =	ssyncadd.s32 $0xFFFFC180  }
0x1d8: {  	[tilespmem:s16], [sflag:$0x5] =	stream.linear.gather [hbm4b:s12+s2], $0x3E80, $0x38;
	[tilespmem:$0x1F480] =	vst v63  }
0x1d9: {  	_ =	swait.ge [sflag:s14], $0x3E80  }
0x1da: {  	[sflag:s14] =	ssyncset.done $0x0  }
0x1db: {  	s1 =	rddreg [dreg:$0x17];
	[sflag:s14] =	ssyncadd.s32 $0xFFFFC180  }
0x1dc: {  	[hbm4b:s1+s2] =	stream.linear.scatter [tilespmem:s25], [sflag:$0x9], $0x3E80, $0x38;
	[tilespmem:$0x1F480] =	vst v63  }
0x1dd: {  	_ =	swait.ge [sflag:s4], $0x3E80  }
0x1de: {  	[sflag:s4] =	ssyncset.done $0x0  }
0x1df: {  	s12 =	rddreg [dreg:$0x18];
	[sflag:s4] =	ssyncadd.s32 $0xFFFFC180  }
0x1e0: {  	[tilespmem:s19], [sflag:$0x6] =	stream.linear.gather [hbm4b:s12+s2], $0x3E80, $0x38;
	[tilespmem:$0x1F480] =	vst v63  }
0x1e1: {  	_ =	swait.ge [sflag:s21], $0x3E80  }
0x1e2: {  	[sflag:s21] =	ssyncset.done $0x0  }
0x1e3: {  	s1 =	rddreg [dreg:$0x19];
	[sflag:s21] =	ssyncadd.s32 $0xFFFFC180  }
0x1e4: {  	[hbm4b:s1+s2] =	stream.linear.scatter [tilespmem:s24], [sflag:$0xA], $0x3E80, $0x38;
	[tilespmem:$0x1F480] =	vst v63  }
0x1e5: {  	_ =	swait.ge [sflag:s5], $0x3E80  }
0x1e6: {  	[sflag:s5] =	ssyncset.done $0x0  }
0x1e7: {  	s12 =	rddreg [dreg:$0x1a];
	[sflag:s5] =	ssyncadd.s32 $0xFFFFC180  }
0x1e8: {  	[tilespmem:s30], [sflag:$0x7] =	stream.linear.gather [hbm4b:s12+s2], $0x3E80, $0x38;
	[tilespmem:$0x1F480] =	vst v63  }
0x1e9: {  	_ =	swait.ge [sflag:s20], $0x3E80  }
0x1ea: {  	[sflag:s20] =	ssyncset.done $0x0  }
0x1eb: {  	s1 =	rddreg [dreg:$0x1b];
	[sflag:s20] =	ssyncadd.s32 $0xFFFFC180  }
0x1ec: {  	[hbm4b:s1+s2] =	stream.linear.scatter [tilespmem:s22], [sflag:$0xB], $0x3E80, $0x38;
	[tilespmem:$0x1F480] =	vst v63  }
0x1ed: {  	_ =	swait.ge [sflag:s10], $0x3E80  }
0x1ee: {  	[sflag:s10] =	ssyncset.done $0x0  }
0x1ef: {  	s12 =	rddreg [dreg:$0x1c];
	[sflag:s10] =	ssyncadd.s32 $0xFFFFC180  }
0x1f0: {  	[tilespmem:s6], [sflag:$0x8] =	stream.linear.gather [hbm4b:s12+s2], $0x3E80, $0x38;
	[tilespmem:$0x1F480] =	vst v63  }
0x1f1: {  	_ =	swait.ge [sflag:s18], $0x3E80  }
0x1f2: {  	[sflag:s18] =	ssyncset.done $0x0  }
0x1f3: {  	s1 =	rddreg [dreg:$0x1d];
	[sflag:s18] =	ssyncadd.s32 $0xFFFFC180  }
0x1f4: {  	[hbm4b:s1+s2] =	stream.linear.scatter [tilespmem:s17], [sflag:$0xC], $0x3E80, $0x38;
	[tilespmem:$0x1F480] =	vst v63  }
0x1f5: {  	_ =	swait.ge [sflag:s8], $0x3E80  }
0x1f6: {  	[sflag:s8] =	ssyncset.done $0x0  }
0x1f7: {  	s12 =	rddreg [dreg:$0x1e];
	[sflag:s8] =	ssyncadd.s32 $0xFFFFC180  }
0x1f8: {  	[tilespmem:s25], [sflag:$0x1] =	stream.linear.gather [hbm4b:s12+s2], $0x3E80, $0x38;
	[tilespmem:$0x1F480] =	vst v63  }
0x1f9: {  	_ =	swait.ge [sflag:s15], $0x3E80  }
0x1fa: {  	[sflag:s15] =	ssyncset.done $0x0  }
0x1fb: {  	s1 =	rddreg [dreg:$0x1f];
	[sflag:s15] =	ssyncadd.s32 $0xFFFFC180  }
0x1fc: {  	[hbm4b:s1+s2] =	stream.linear.scatter [tilespmem:s16], [sflag:$0xD], $0x3E80, $0x38;
	[tilespmem:$0x1F480] =	vst v63  }
0x1fd: {  	_ =	swait.ge [sflag:s28], $0x3E80  }
0x1fe: {  	s12 =	sld [smem:$0x7F0]  }
0x1ff: {  	[sflag:s28] =	ssyncset.done $0x0  }
0x200: {  	[sflag:s28] =	ssyncadd.s32 $0xFFFFC180  }
0x201: {  	[tilespmem:s24], [sflag:$0x2] =	stream.linear.gather [hbm4b:s12+s2], $0x3E80, $0x38;
	[tilespmem:$0x1F480] =	vst v63  }
0x202: {  	_ =	swait.ge [sflag:s13], $0x3E80  }
0x203: {  	s1 =	sld [smem:$0x7F1]  }
0x204: {  	[sflag:s13] =	ssyncset.done $0x0  }
0x205: {  	[sflag:s13] =	ssyncadd.s32 $0xFFFFC180  }
0x206: {  	[hbm4b:s1+s2] =	stream.linear.scatter [tilespmem:s19], [sflag:$0xE], $0x3E80, $0x38;
	[tilespmem:$0x1F480] =	vst v63  }
0x207: {  	_ =	swait.ge [sflag:s26], $0x3E80  }
0x208: {  	s12 =	sld [smem:$0x7F2]  }
0x209: {  	[sflag:s26] =	ssyncset.done $0x0  }
0x20a: {  	[sflag:s26] =	ssyncadd.s32 $0xFFFFC180  }
0x20b: {  	[tilespmem:s22], [sflag:$0x3] =	stream.linear.gather [hbm4b:s12+s2], $0x3E80, $0x38;
	[tilespmem:$0x1F480] =	vst v63  }
0x20c: {  	_ =	swait.ge [sflag:s9], $0x3E80  }
0x20d: {  	s1 =	sld [smem:$0x7F3]  }
0x20e: {  	[sflag:s9] =	ssyncset.done $0x0  }
0x20f: {  	[sflag:s9] =	ssyncadd.s32 $0xFFFFC180  }
0x210: {  	[hbm4b:s1+s2] =	stream.linear.scatter [tilespmem:s30], [sflag:$0xF], $0x3E80, $0x38;
	[tilespmem:$0x1F480] =	vst v63  }
0x211: {  	_ =	swait.ge [sflag:s3], $0x3E80  }
0x212: {  	s12 =	sld [smem:$0x7F4]  }
0x213: {  	[sflag:s3] =	ssyncset.done $0x0  }
0x214: {  	[sflag:s3] =	ssyncadd.s32 $0xFFFFC180  }
0x215: {  	[tilespmem:s17], [sflag:$0x4] =	stream.linear.gather [hbm4b:s12+s2], $0x3E80, $0x38;
	[tilespmem:$0x1F480] =	vst v63  }
0x216: {  	_ =	swait.ge [sflag:s29], $0x3E80  }
0x217: {  	s1 =	sld [smem:$0x7F5]  }
0x218: {  	[sflag:s29] =	ssyncset.done $0x0  }
0x219: {  	[sflag:s29] =	ssyncadd.s32 $0xFFFFC180  }
0x21a: {  	[hbm4b:s1+s2] =	stream.linear.scatter [tilespmem:s6], [sflag:$0x10], $0x3E80, $0x38;
	[tilespmem:$0x1F480] =	vst v63  }
0x21b: {  	_ =	swait.ge [sflag:s7], $0x3E80  }
0x21c: {  	s9 =	sld [smem:$0x7F6]  }
0x21d: {  	[sflag:s7] =	ssyncset.done $0x0  }
0x21e: {  	[sflag:s7] =	ssyncadd.s32 $0xFFFFC180  }
0x21f: {  	[tilespmem:s16], [sflag:$0x5] =	stream.linear.gather [hbm4b:s9+s2], $0x3E80, $0x38;
	[tilespmem:$0x1F480] =	vst v63  }
0x220: {  	_ =	swait.ge [sflag:s14], $0x3E80  }
0x221: {  	s12 =	sld [smem:$0x7F7]  }
0x222: {  	[sflag:s14] =	ssyncset.done $0x0  }
0x223: {  	[sflag:s14] =	ssyncadd.s32 $0xFFFFC180  }
0x224: {  	[hbm4b:s12+s2] =	stream.linear.scatter [tilespmem:s25], [sflag:$0x9], $0x3E80, $0x38;
	[tilespmem:$0x1F480] =	vst v63  }
0x225: {  	_ =	swait.ge [sflag:s4], $0x3E80  }
0x226: {  	s1 =	sld [smem:$0x7F8]  }
0x227: {  	[sflag:s4] =	ssyncset.done $0x0  }
0x228: {  	[sflag:s4] =	ssyncadd.s32 $0xFFFFC180  }
0x229: {  	[tilespmem:s19], [sflag:$0x6] =	stream.linear.gather [hbm4b:s1+s2], $0x3E80, $0x38;
	[tilespmem:$0x1F480] =	vst v63  }
0x22a: {  	_ =	swait.ge [sflag:s21], $0x3E80  }
0x22b: {  	s9 =	sld [smem:$0x7F9]  }
0x22c: {  	[sflag:s21] =	ssyncset.done $0x0  }
0x22d: {  	[sflag:s21] =	ssyncadd.s32 $0xFFFFC180  }
0x22e: {  	[hbm4b:s9+s2] =	stream.linear.scatter [tilespmem:s24], [sflag:$0xA], $0x3E80, $0x38;
	[tilespmem:$0x1F480] =	vst v63  }
0x22f: {  	_ =	swait.ge [sflag:s20], $0x3E80  }
0x230: {  	s12 =	sld [smem:$0x7FA]  }
0x231: {  	[sflag:s20] =	ssyncset.done $0x0  }
0x232: {  	[sflag:s20] =	ssyncadd.s32 $0xFFFFC180  }
0x233: {  	[hbm4b:s12+s2] =	stream.linear.scatter [tilespmem:s22], [sflag:$0xB], $0x3E80, $0x38;
	[tilespmem:$0x1F480] =	vst v63  }
0x234: {  	_ =	swait.ge [sflag:s18], $0x3E80  }
0x235: {  	s1 =	sld [smem:$0x7FB]  }
0x236: {  	[sflag:s18] =	ssyncset.done $0x0  }
0x237: {  	[sflag:s18] =	ssyncadd.s32 $0xFFFFC180  }
0x238: {  	[hbm4b:s1+s2] =	stream.linear.scatter [tilespmem:s17], [sflag:$0xC], $0x3E80, $0x38;
	[tilespmem:$0x1F480] =	vst v63  }
0x239: {  	_ =	swait.ge [sflag:s15], $0x3E80  }
0x23a: {  	s9 =	sld [smem:$0x7FC]  }
0x23b: {  	[sflag:s15] =	ssyncset.done $0x0  }
0x23c: {  	[sflag:s15] =	ssyncadd.s32 $0xFFFFC180  }
0x23d: {  	[hbm4b:s9+s2] =	stream.linear.scatter [tilespmem:s16], [sflag:$0xD], $0x3E80, $0x38;
	[tilespmem:$0x1F480] =	vst v63  }
0x23e: {  	_ =	swait.ge [sflag:s13], $0x3E80  }
0x23f: {  	s12 =	sld [smem:$0x7FD]  }
0x240: {  	[sflag:s13] =	ssyncset.done $0x0  }
0x241: {  	[sflag:s13] =	ssyncadd.s32 $0xFFFFC180  }
0x242: {  	[hbm4b:s12+s2] =	stream.linear.scatter [tilespmem:s19], [sflag:$0xE], $0x3E80, $0x38;
	[tilespmem:$0x1F480] =	vst v63  }
0x243: {  	_ =	swait.ge [sflag:s5], $0x3E80  }
0x244: {  	[sflag:s5] =	ssyncset.done $0x0  }
0x245: {  	[sflag:s5] =	ssyncadd.s32 $0xFFFFC180  }
0x246: {  	_ =	swait.ge [sflag:s10], $0x3E80  }
0x247: {  	[sflag:s10] =	ssyncset.done $0x0  }
0x248: {  	[sflag:s10] =	ssyncadd.s32 $0xFFFFC180  }
0x249: {  	_ =	swait.ge [sflag:s8], $0x3E80  }
0x24a: {  	[sflag:s8] =	ssyncset.done $0x0  }
0x24b: {  	[sflag:s8] =	ssyncadd.s32 $0xFFFFC180  }
0x24c: {  	_ =	swait.ge [sflag:s28], $0x3E80  }
0x24d: {  	[sflag:s28] =	ssyncset.done $0x0  }
0x24e: {  	[sflag:s28] =	ssyncadd.s32 $0xFFFFC180  }
0x24f: {  	_ =	swait.ge [sflag:s26], $0x3E80  }
0x250: {  	[sflag:s26] =	ssyncset.done $0x0  }
0x251: {  	[sflag:s26] =	ssyncadd.s32 $0xFFFFC180  }
0x252: {  	_ =	swait.ge [sflag:s3], $0x3E80  }
0x253: {  	[sflag:s3] =	ssyncset.done $0x0  }
0x254: {  	p1 =	sne.s32 s31, $0x1;
	[sflag:s3] =	ssyncadd.s32 $0xFFFFC180  }
.Ltmp2:
0x255: {  	_ =	swait.ge [sflag:s7], $0x3E80;
	(pc) =	sbr.rel @p1 .LBB2_4-.Ltmp2, $4  }
0x256: {  	[sflag:s7] =	ssyncset.done $0x0  }
0x257: {  	[sflag:s7] =	ssyncadd.s32 $0xFFFFC180  }
0x258: {  	_ =	swait.ge [sflag:s4], $0x3E80  }
0x259: {  	s31 =	sadd.s32 $0xFFFFFFFF, s31;
	s0 =	rddreg [dreg:$0x6];
	[sflag:s4] =	ssyncset.done $0x0  }
0x25a: {  	s9 =	sld [smem:$0x7EF]  }
0x25b: {  	s12 =	stileid.u32;
	s14 =	rddreg [dreg:$0x5];
	s1 =	simm.s32 $0x11  }
.LBB2_6:
0x25c: {  	[sflag:s4] =	ssyncadd.s32 @p0 $0xFFFFC180  }
0x25d: {  	[tilespmem:s2], [sflag:$0x11] =	stream.linear.gather [hbm4b:s0+s2], $0x80, $0x38;
	[tilespmem:$0x1F480] =	vst v63  }
0x25e: {  	_ =	swait.ge [sflag:s1], $0x80  }
0x25f: {  	[sflag:s1] =	ssyncset.done $0x0  }
0x260: {  	[sflag:s1] =	ssyncadd.s32 $0xFFFFFF80  }
0x261: {  	v0 =	vld [tilespmem:$0x0];
	_ =	sdelay $0x4  }
0x262: {  	v0 =	vmul.u32 $0x27100, v0;
	_ =	sdelay $0x1  }
0x263: {  	(v2sf) =	vpush v0, $0x0;
	_ =	sdelay $0xe  }
0x264: {  	s1 =	spop (v2sf)  }
0x265: {  	s31 =	sshrl.u32 s1, $0x3  }
0x266: {  	s23 =	sadd.s32 $0x3E80, s1;
	s0 =	sadd.s32 s11, s31  }
0x267: {  	[tilespmem:s25], [sflag:$0x1] =	stream.linear.gather [hbm4b:s0+s2], $0x3E80, $0x38;
	[tilespmem:$0x1F480] =	vst v63  }
0x268: {  	s0 =	sshrl.u32 s23, $0x3  }
0x269: {  	s31 =	sadd.s32 $0x7D00, s1;
	s0 =	sadd.s32 s11, s0  }
0x26a: {  	[tilespmem:s24], [sflag:$0x2] =	stream.linear.gather [hbm4b:s0+s2], $0x3E80, $0x38;
	[tilespmem:$0x1F480] =	vst v63  }
0x26b: {  	s0 =	sshrl.u32 s31, $0x3  }
0x26c: {  	s23 =	sadd.s32 $0xBB80, s1;
	s0 =	sadd.s32 s11, s0  }
0x26d: {  	(v2sf) =	vpush v0, $0x1;
	[tilespmem:s22], [sflag:$0x3] =	stream.linear.gather [hbm4b:s0+s2], $0x3E80, $0x38;
	[tilespmem:$0x1F480] =	vst v63  }
0x26e: {  	s0 =	sshrl.u32 s23, $0x3  }
0x26f: {  	s31 =	sadd.s32 $0xFA00, s1;
	s0 =	sadd.s32 s11, s0  }
0x270: {  	[tilespmem:s17], [sflag:$0x4] =	stream.linear.gather [hbm4b:s0+s2], $0x3E80, $0x38;
	[tilespmem:$0x1F480] =	vst v63  }
0x271: {  	s0 =	sshrl.u32 s31, $0x3  }
0x272: {  	s23 =	simm.s32 $0x1;
	s0 =	sadd.s32 s11, s0  }
0x273: {  	[tilespmem:s16], [sflag:$0x5] =	stream.linear.gather [hbm4b:s0+s2], $0x3E80, $0x38;
	[tilespmem:$0x1F480] =	vst v63  }
0x274: {  	_ =	swait.ge [sflag:s23], $0x3E80  }
0x275: {  	[sflag:s23] =	ssyncset.done $0x0  }
0x276: {  	[sflag:s23] =	ssyncadd.s32 $0xFFFFC180  }
0x277: {  	[hbm4b:s9+s2] =	stream.linear.scatter [tilespmem:s25], [sflag:$0x9], $0x3E80, $0x38;
	[tilespmem:$0x1F480] =	vst v63  }
0x278: {  	s9 =	sadd.s32 $0x13880, s1  }
0x279: {  	s0 =	sshrl.u32 s9, $0x3  }
0x27a: {  	s0 =	sadd.s32 s11, s0  }
0x27b: {  	[tilespmem:s19], [sflag:$0x6] =	stream.linear.gather [hbm4b:s0+s2], $0x3E80, $0x38;
	[tilespmem:$0x1F480] =	vst v63  }
0x27c: {  	s0 =	spop (v2sf)  }
0x27d: {  	_ =	swait.ge [sflag:s21], $0x3E80  }
0x27e: {  	[sflag:s21] =	ssyncset.done $0x0  }
0x27f: {  	s31 =	rddreg [dreg:$0x7];
	[sflag:s21] =	ssyncadd.s32 $0xFFFFC180  }
0x280: {  	[hbm4b:s31+s2] =	stream.linear.scatter [tilespmem:s24], [sflag:$0xA], $0x3E80, $0x38;
	[tilespmem:$0x1F480] =	vst v63  }
0x281: {  	s31 =	sadd.s32 $0x17700, s1  }
0x282: {  	s9 =	sshrl.u32 s31, $0x3  }
0x283: {  	s9 =	sadd.s32 s11, s9  }
0x284: {  	[tilespmem:s30], [sflag:$0x7] =	stream.linear.gather [hbm4b:s9+s2], $0x3E80, $0x38;
	[tilespmem:$0x1F480] =	vst v63  }
0x285: {  	_ =	swait.ge [sflag:s20], $0x3E80  }
0x286: {  	[sflag:s20] =	ssyncset.done $0x0  }
0x287: {  	s31 =	rddreg [dreg:$0x8];
	[sflag:s20] =	ssyncadd.s32 $0xFFFFC180  }
0x288: {  	[hbm4b:s31+s2] =	stream.linear.scatter [tilespmem:s22], [sflag:$0xB], $0x3E80, $0x38;
	[tilespmem:$0x1F480] =	vst v63  }
0x289: {  	s31 =	sadd.s32 $0x1B580, s1  }
0x28a: {  	s9 =	sshrl.u32 s31, $0x3  }
0x28b: {  	s9 =	sadd.s32 s11, s9  }
0x28c: {  	[tilespmem:s6], [sflag:$0x8] =	stream.linear.gather [hbm4b:s9+s2], $0x3E80, $0x38;
	[tilespmem:$0x1F480] =	vst v63  }
0x28d: {  	_ =	swait.ge [sflag:s18], $0x3E80  }
0x28e: {  	[sflag:s18] =	ssyncset.done $0x0  }
0x28f: {  	s31 =	rddreg [dreg:$0x9];
	[sflag:s18] =	ssyncadd.s32 $0xFFFFC180  }
0x290: {  	[hbm4b:s31+s2] =	stream.linear.scatter [tilespmem:s17], [sflag:$0xC], $0x3E80, $0x38;
	[tilespmem:$0x1F480] =	vst v63  }
0x291: {  	s31 =	sadd.s32 $0x1F400, s1;
	_ =	swait.ge [sflag:s8], $0x3E80  }
0x292: {  	s9 =	sshrl.u32 s31, $0x3;
	[sflag:s8] =	ssyncset.done $0x0  }
0x293: {  	s9 =	sadd.s32 s11, s9;
	[sflag:s8] =	ssyncadd.s32 $0xFFFFC180  }
0x294: {  	[tilespmem:s25], [sflag:$0x1] =	stream.linear.gather [hbm4b:s9+s2], $0x3E80, $0x38;
	[tilespmem:$0x1F480] =	vst v63  }
0x295: {  	_ =	swait.ge [sflag:s15], $0x3E80  }
0x296: {  	[sflag:s15] =	ssyncset.done $0x0  }
0x297: {  	s31 =	rddreg [dreg:$0xa];
	[sflag:s15] =	ssyncadd.s32 $0xFFFFC180  }
0x298: {  	[hbm4b:s31+s2] =	stream.linear.scatter [tilespmem:s16], [sflag:$0xD], $0x3E80, $0x38;
	[tilespmem:$0x1F480] =	vst v63  }
0x299: {  	s1 =	sadd.s32 $0x23280, s1;
	_ =	swait.ge [sflag:s28], $0x3E80  }
0x29a: {  	s1 =	sshrl.u32 s1, $0x3;
	[sflag:s28] =	ssyncset.done $0x0  }
0x29b: {  	s1 =	sadd.s32 s11, s1;
	[sflag:s28] =	ssyncadd.s32 $0xFFFFC180  }
0x29c: {  	[tilespmem:s24], [sflag:$0x2] =	stream.linear.gather [hbm4b:s1+s2], $0x3E80, $0x38;
	[tilespmem:$0x1F480] =	vst v63  }
0x29d: {  	_ =	swait.ge [sflag:s13], $0x3E80  }
0x29e: {  	[sflag:s13] =	ssyncset.done $0x0  }
0x29f: {  	s31 =	rddreg [dreg:$0xb];
	[sflag:s13] =	ssyncadd.s32 $0xFFFFC180  }
0x2a0: {  	[hbm4b:s31+s2] =	stream.linear.scatter [tilespmem:s19], [sflag:$0xE], $0x3E80, $0x38;
	[tilespmem:$0x1F480] =	vst v63  }
0x2a1: {  	_ =	swait.ge [sflag:s26], $0x3E80  }
0x2a2: {  	s9 =	sshrl.u32 s0, $0x3;
	[sflag:s26] =	ssyncset.done $0x0  }
0x2a3: {  	s1 =	sadd.s32 s11, s9;
	s9 =	simm.s32 $0x7;
	[sflag:s26] =	ssyncadd.s32 $0xFFFFC180  }
0x2a4: {  	[tilespmem:s22], [sflag:$0x3] =	stream.linear.gather [hbm4b:s1+s2], $0x3E80, $0x38;
	[tilespmem:$0x1F480] =	vst v63  }
0x2a5: {  	_ =	swait.ge [sflag:s9], $0x3E80  }
0x2a6: {  	[sflag:s9] =	ssyncset.done $0x0  }
0x2a7: {  	s31 =	rddreg [dreg:$0xc];
	[sflag:s9] =	ssyncadd.s32 $0xFFFFC180  }
0x2a8: {  	[hbm4b:s31+s2] =	stream.linear.scatter [tilespmem:s30], [sflag:$0xF], $0x3E80, $0x38;
	[tilespmem:$0x1F480] =	vst v63  }
0x2a9: {  	s31 =	sadd.s32 $0x3E80, s0;
	_ =	swait.ge [sflag:s3], $0x3E80  }
0x2aa: {  	s1 =	sshrl.u32 s31, $0x3;
	[sflag:s3] =	ssyncset.done $0x0  }
0x2ab: {  	s1 =	sadd.s32 s11, s1;
	[sflag:s3] =	ssyncadd.s32 $0xFFFFC180  }
0x2ac: {  	[tilespmem:s17], [sflag:$0x4] =	stream.linear.gather [hbm4b:s1+s2], $0x3E80, $0x38;
	[tilespmem:$0x1F480] =	vst v63  }
0x2ad: {  	_ =	swait.ge [sflag:s29], $0x3E80  }
0x2ae: {  	[sflag:s29] =	ssyncset.done $0x0  }
0x2af: {  	s31 =	rddreg [dreg:$0xd];
	[sflag:s29] =	ssyncadd.s32 $0xFFFFC180  }
0x2b0: {  	[hbm4b:s31+s2] =	stream.linear.scatter [tilespmem:s6], [sflag:$0x10], $0x3E80, $0x38;
	[tilespmem:$0x1F480] =	vst v63  }
0x2b1: {  	s31 =	sadd.s32 $0x7D00, s0;
	_ =	swait.ge [sflag:s7], $0x3E80  }
0x2b2: {  	s1 =	sshrl.u32 s31, $0x3;
	[sflag:s7] =	ssyncset.done $0x0  }
0x2b3: {  	s1 =	sadd.s32 s11, s1;
	[sflag:s7] =	ssyncadd.s32 $0xFFFFC180  }
0x2b4: {  	[tilespmem:s16], [sflag:$0x5] =	stream.linear.gather [hbm4b:s1+s2], $0x3E80, $0x38;
	[tilespmem:$0x1F480] =	vst v63  }
0x2b5: {  	_ =	swait.ge [sflag:s23], $0x3E80  }
0x2b6: {  	[sflag:s23] =	ssyncset.done $0x0  }
0x2b7: {  	s31 =	rddreg [dreg:$0xe];
	[sflag:s23] =	ssyncadd.s32 $0xFFFFC180  }
0x2b8: {  	[hbm4b:s31+s2] =	stream.linear.scatter [tilespmem:s25], [sflag:$0x9], $0x3E80, $0x38;
	[tilespmem:$0x1F480] =	vst v63  }
0x2b9: {  	s31 =	sadd.s32 $0xBB80, s0;
	_ =	swait.ge [sflag:s4], $0x3E80  }
0x2ba: {  	s1 =	sshrl.u32 s31, $0x3;
	[sflag:s4] =	ssyncset.done $0x0  }
0x2bb: {  	s1 =	sadd.s32 s11, s1;
	[sflag:s4] =	ssyncadd.s32 $0xFFFFC180  }
0x2bc: {  	[tilespmem:s19], [sflag:$0x6] =	stream.linear.gather [hbm4b:s1+s2], $0x3E80, $0x38;
	[tilespmem:$0x1F480] =	vst v63  }
0x2bd: {  	_ =	swait.ge [sflag:s21], $0x3E80  }
0x2be: {  	[sflag:s21] =	ssyncset.done $0x0  }
0x2bf: {  	s31 =	rddreg [dreg:$0xf];
	[sflag:s21] =	ssyncadd.s32 $0xFFFFC180  }
0x2c0: {  	[hbm4b:s31+s2] =	stream.linear.scatter [tilespmem:s24], [sflag:$0xA], $0x3E80, $0x38;
	[tilespmem:$0x1F480] =	vst v63  }
0x2c1: {  	s31 =	sadd.s32 $0xFA00, s0;
	_ =	swait.ge [sflag:s5], $0x3E80  }
0x2c2: {  	s1 =	sshrl.u32 s31, $0x3;
	[sflag:s5] =	ssyncset.done $0x0  }
0x2c3: {  	s1 =	sadd.s32 s11, s1;
	[sflag:s5] =	ssyncadd.s32 $0xFFFFC180  }
0x2c4: {  	[tilespmem:s30], [sflag:$0x7] =	stream.linear.gather [hbm4b:s1+s2], $0x3E80, $0x38;
	[tilespmem:$0x1F480] =	vst v63  }
0x2c5: {  	_ =	swait.ge [sflag:s20], $0x3E80  }
0x2c6: {  	[sflag:s20] =	ssyncset.done $0x0  }
0x2c7: {  	s31 =	rddreg [dreg:$0x10];
	[sflag:s20] =	ssyncadd.s32 $0xFFFFC180  }
0x2c8: {  	[hbm4b:s31+s2] =	stream.linear.scatter [tilespmem:s22], [sflag:$0xB], $0x3E80, $0x38;
	[tilespmem:$0x1F480] =	vst v63  }
0x2c9: {  	s31 =	sadd.s32 $0x13880, s0;
	_ =	swait.ge [sflag:s10], $0x3E80  }
0x2ca: {  	s1 =	sshrl.u32 s31, $0x3;
	[sflag:s10] =	ssyncset.done $0x0  }
0x2cb: {  	s1 =	sadd.s32 s11, s1;
	[sflag:s10] =	ssyncadd.s32 $0xFFFFC180  }
0x2cc: {  	[tilespmem:s6], [sflag:$0x8] =	stream.linear.gather [hbm4b:s1+s2], $0x3E80, $0x38;
	[tilespmem:$0x1F480] =	vst v63  }
0x2cd: {  	_ =	swait.ge [sflag:s18], $0x3E80  }
0x2ce: {  	[sflag:s18] =	ssyncset.done $0x0  }
0x2cf: {  	s31 =	rddreg [dreg:$0x11];
	[sflag:s18] =	ssyncadd.s32 $0xFFFFC180  }
0x2d0: {  	[hbm4b:s31+s2] =	stream.linear.scatter [tilespmem:s17], [sflag:$0xC], $0x3E80, $0x38;
	[tilespmem:$0x1F480] =	vst v63  }
0x2d1: {  	s31 =	sadd.s32 $0x17700, s0;
	_ =	swait.ge [sflag:s8], $0x3E80  }
0x2d2: {  	s1 =	sshrl.u32 s31, $0x3;
	[sflag:s8] =	ssyncset.done $0x0  }
0x2d3: {  	s1 =	sadd.s32 s11, s1;
	[sflag:s8] =	ssyncadd.s32 $0xFFFFC180  }
0x2d4: {  	[tilespmem:s25], [sflag:$0x1] =	stream.linear.gather [hbm4b:s1+s2], $0x3E80, $0x38;
	[tilespmem:$0x1F480] =	vst v63  }
0x2d5: {  	_ =	swait.ge [sflag:s15], $0x3E80  }
0x2d6: {  	[sflag:s15] =	ssyncset.done $0x0  }
0x2d7: {  	s31 =	rddreg [dreg:$0x12];
	[sflag:s15] =	ssyncadd.s32 $0xFFFFC180  }
0x2d8: {  	[hbm4b:s31+s2] =	stream.linear.scatter [tilespmem:s16], [sflag:$0xD], $0x3E80, $0x38;
	[tilespmem:$0x1F480] =	vst v63  }
0x2d9: {  	s31 =	sadd.s32 $0x1B580, s0;
	_ =	swait.ge [sflag:s28], $0x3E80  }
0x2da: {  	s1 =	sshrl.u32 s31, $0x3;
	[sflag:s28] =	ssyncset.done $0x0  }
0x2db: {  	s1 =	sadd.s32 s11, s1;
	[sflag:s28] =	ssyncadd.s32 $0xFFFFC180  }
0x2dc: {  	[tilespmem:s24], [sflag:$0x2] =	stream.linear.gather [hbm4b:s1+s2], $0x3E80, $0x38;
	[tilespmem:$0x1F480] =	vst v63  }
0x2dd: {  	_ =	swait.ge [sflag:s13], $0x3E80  }
0x2de: {  	[sflag:s13] =	ssyncset.done $0x0  }
0x2df: {  	s31 =	rddreg [dreg:$0x13];
	[sflag:s13] =	ssyncadd.s32 $0xFFFFC180  }
0x2e0: {  	[hbm4b:s31+s2] =	stream.linear.scatter [tilespmem:s19], [sflag:$0xE], $0x3E80, $0x38;
	[tilespmem:$0x1F480] =	vst v63  }
0x2e1: {  	s31 =	sadd.s32 $0x1F400, s0;
	_ =	swait.ge [sflag:s26], $0x3E80  }
0x2e2: {  	s1 =	sshrl.u32 s31, $0x3;
	[sflag:s26] =	ssyncset.done $0x0  }
0x2e3: {  	s1 =	sadd.s32 s11, s1;
	[sflag:s26] =	ssyncadd.s32 $0xFFFFC180  }
0x2e4: {  	[tilespmem:s22], [sflag:$0x3] =	stream.linear.gather [hbm4b:s1+s2], $0x3E80, $0x38;
	[tilespmem:$0x1F480] =	vst v63  }
0x2e5: {  	_ =	swait.ge [sflag:s9], $0x3E80  }
0x2e6: {  	[sflag:s9] =	ssyncset.done $0x0  }
0x2e7: {  	s31 =	rddreg [dreg:$0x14];
	[sflag:s9] =	ssyncadd.s32 $0xFFFFC180  }
0x2e8: {  	[hbm4b:s31+s2] =	stream.linear.scatter [tilespmem:s30], [sflag:$0xF], $0x3E80, $0x38;
	[tilespmem:$0x1F480] =	vst v63  }
0x2e9: {  	s0 =	sadd.s32 $0x23280, s0;
	_ =	swait.ge [sflag:s3], $0x3E80  }
0x2ea: {  	s0 =	sshrl.u32 s0, $0x3;
	[sflag:s3] =	ssyncset.done $0x0  }
0x2eb: {  	s0 =	sadd.s32 s11, s0;
	[sflag:s3] =	ssyncadd.s32 $0xFFFFC180  }
0x2ec: {  	[tilespmem:s17], [sflag:$0x4] =	stream.linear.gather [hbm4b:s0+s2], $0x3E80, $0x38;
	[tilespmem:$0x1F480] =	vst v63  }
0x2ed: {  	_ =	swait.ge [sflag:s29], $0x3E80  }
0x2ee: {  	[sflag:s29] =	ssyncset.done $0x0  }
0x2ef: {  	s31 =	rddreg [dreg:$0x15];
	[sflag:s29] =	ssyncadd.s32 $0xFFFFC180  }
0x2f0: {  	[hbm4b:s31+s2] =	stream.linear.scatter [tilespmem:s6], [sflag:$0x10], $0x3E80, $0x38;
	[tilespmem:$0x1F480] =	vst v63  }
0x2f1: {  	_ =	swait.ge [sflag:s7], $0x3E80  }
0x2f2: {  	[sflag:s7] =	ssyncset.done $0x0  }
0x2f3: {  	s1 =	rddreg [dreg:$0x16];
	[sflag:s7] =	ssyncadd.s32 $0xFFFFC180  }
0x2f4: {  	[tilespmem:s16], [sflag:$0x5] =	stream.linear.gather [hbm4b:s1+s2], $0x3E80, $0x38;
	[tilespmem:$0x1F480] =	vst v63  }
0x2f5: {  	_ =	swait.ge [sflag:s23], $0x3E80  }
0x2f6: {  	[sflag:s23] =	ssyncset.done $0x0  }
0x2f7: {  	s11 =	rddreg [dreg:$0x17];
	[sflag:s23] =	ssyncadd.s32 $0xFFFFC180  }
0x2f8: {  	[hbm4b:s11+s2] =	stream.linear.scatter [tilespmem:s25], [sflag:$0x9], $0x3E80, $0x38;
	[tilespmem:$0x1F480] =	vst v63  }
0x2f9: {  	_ =	swait.ge [sflag:s4], $0x3E80  }
0x2fa: {  	[sflag:s4] =	ssyncset.done $0x0  }
0x2fb: {  	s31 =	rddreg [dreg:$0x18];
	[sflag:s4] =	ssyncadd.s32 $0xFFFFC180  }
0x2fc: {  	[tilespmem:s19], [sflag:$0x6] =	stream.linear.gather [hbm4b:s31+s2], $0x3E80, $0x38;
	[tilespmem:$0x1F480] =	vst v63  }
0x2fd: {  	_ =	swait.ge [sflag:s21], $0x3E80  }
0x2fe: {  	[sflag:s21] =	ssyncset.done $0x0  }
0x2ff: {  	s1 =	rddreg [dreg:$0x19];
	[sflag:s21] =	ssyncadd.s32 $0xFFFFC180  }
0x300: {  	[hbm4b:s1+s2] =	stream.linear.scatter [tilespmem:s24], [sflag:$0xA], $0x3E80, $0x38;
	[tilespmem:$0x1F480] =	vst v63  }
0x301: {  	_ =	swait.ge [sflag:s5], $0x3E80  }
0x302: {  	[sflag:s5] =	ssyncset.done $0x0  }
0x303: {  	s11 =	rddreg [dreg:$0x1a];
	[sflag:s5] =	ssyncadd.s32 $0xFFFFC180  }
0x304: {  	[tilespmem:s30], [sflag:$0x7] =	stream.linear.gather [hbm4b:s11+s2], $0x3E80, $0x38;
	[tilespmem:$0x1F480] =	vst v63  }
0x305: {  	_ =	swait.ge [sflag:s20], $0x3E80  }
0x306: {  	[sflag:s20] =	ssyncset.done $0x0  }
0x307: {  	s31 =	rddreg [dreg:$0x1b];
	[sflag:s20] =	ssyncadd.s32 $0xFFFFC180  }
0x308: {  	[hbm4b:s31+s2] =	stream.linear.scatter [tilespmem:s22], [sflag:$0xB], $0x3E80, $0x38;
	[tilespmem:$0x1F480] =	vst v63  }
0x309: {  	_ =	swait.ge [sflag:s10], $0x3E80  }
0x30a: {  	[sflag:s10] =	ssyncset.done $0x0  }
0x30b: {  	s1 =	rddreg [dreg:$0x1c];
	[sflag:s10] =	ssyncadd.s32 $0xFFFFC180  }
0x30c: {  	[tilespmem:s6], [sflag:$0x8] =	stream.linear.gather [hbm4b:s1+s2], $0x3E80, $0x38;
	[tilespmem:$0x1F480] =	vst v63  }
0x30d: {  	_ =	swait.ge [sflag:s18], $0x3E80  }
0x30e: {  	[sflag:s18] =	ssyncset.done $0x0  }
0x30f: {  	s11 =	rddreg [dreg:$0x1d];
	[sflag:s18] =	ssyncadd.s32 $0xFFFFC180  }
0x310: {  	[hbm4b:s11+s2] =	stream.linear.scatter [tilespmem:s17], [sflag:$0xC], $0x3E80, $0x38;
	[tilespmem:$0x1F480] =	vst v63  }
0x311: {  	_ =	swait.ge [sflag:s8], $0x3E80  }
0x312: {  	[sflag:s8] =	ssyncset.done $0x0  }
0x313: {  	s31 =	rddreg [dreg:$0x1e];
	[sflag:s8] =	ssyncadd.s32 $0xFFFFC180  }
0x314: {  	[tilespmem:s25], [sflag:$0x1] =	stream.linear.gather [hbm4b:s31+s2], $0x3E80, $0x38;
	[tilespmem:$0x1F480] =	vst v63  }
0x315: {  	_ =	swait.ge [sflag:s15], $0x3E80  }
0x316: {  	[sflag:s15] =	ssyncset.done $0x0  }
0x317: {  	s1 =	rddreg [dreg:$0x1f];
	[sflag:s15] =	ssyncadd.s32 $0xFFFFC180  }
0x318: {  	[hbm4b:s1+s2] =	stream.linear.scatter [tilespmem:s16], [sflag:$0xD], $0x3E80, $0x38;
	[tilespmem:$0x1F480] =	vst v63  }
0x319: {  	_ =	swait.ge [sflag:s28], $0x3E80  }
0x31a: {  	s11 =	sld [smem:$0x7F0]  }
0x31b: {  	[sflag:s28] =	ssyncset.done $0x0  }
0x31c: {  	[sflag:s28] =	ssyncadd.s32 $0xFFFFC180  }
0x31d: {  	[tilespmem:s24], [sflag:$0x2] =	stream.linear.gather [hbm4b:s11+s2], $0x3E80, $0x38;
	[tilespmem:$0x1F480] =	vst v63  }
0x31e: {  	_ =	swait.ge [sflag:s13], $0x3E80  }
0x31f: {  	s31 =	sld [smem:$0x7F1]  }
0x320: {  	[sflag:s13] =	ssyncset.done $0x0  }
0x321: {  	[sflag:s13] =	ssyncadd.s32 $0xFFFFC180  }
0x322: {  	[hbm4b:s31+s2] =	stream.linear.scatter [tilespmem:s19], [sflag:$0xE], $0x3E80, $0x38;
	[tilespmem:$0x1F480] =	vst v63  }
0x323: {  	_ =	swait.ge [sflag:s26], $0x3E80  }
0x324: {  	s1 =	sld [smem:$0x7F2]  }
0x325: {  	[sflag:s26] =	ssyncset.done $0x0  }
0x326: {  	[sflag:s26] =	ssyncadd.s32 $0xFFFFC180  }
0x327: {  	[tilespmem:s22], [sflag:$0x3] =	stream.linear.gather [hbm4b:s1+s2], $0x3E80, $0x38;
	[tilespmem:$0x1F480] =	vst v63  }
0x328: {  	_ =	swait.ge [sflag:s9], $0x3E80  }
0x329: {  	s11 =	sld [smem:$0x7F3]  }
0x32a: {  	[sflag:s9] =	ssyncset.done $0x0  }
0x32b: {  	[sflag:s9] =	ssyncadd.s32 $0xFFFFC180  }
0x32c: {  	[hbm4b:s11+s2] =	stream.linear.scatter [tilespmem:s30], [sflag:$0xF], $0x3E80, $0x38;
	[tilespmem:$0x1F480] =	vst v63  }
0x32d: {  	_ =	swait.ge [sflag:s3], $0x3E80  }
0x32e: {  	s31 =	sld [smem:$0x7F4]  }
0x32f: {  	[sflag:s3] =	ssyncset.done $0x0  }
0x330: {  	[sflag:s3] =	ssyncadd.s32 $0xFFFFC180  }
0x331: {  	[tilespmem:s17], [sflag:$0x4] =	stream.linear.gather [hbm4b:s31+s2], $0x3E80, $0x38;
	[tilespmem:$0x1F480] =	vst v63  }
0x332: {  	_ =	swait.ge [sflag:s29], $0x3E80  }
0x333: {  	s1 =	sld [smem:$0x7F5]  }
0x334: {  	[sflag:s29] =	ssyncset.done $0x0  }
0x335: {  	[sflag:s29] =	ssyncadd.s32 $0xFFFFC180  }
0x336: {  	[hbm4b:s1+s2] =	stream.linear.scatter [tilespmem:s6], [sflag:$0x10], $0x3E80, $0x38;
	[tilespmem:$0x1F480] =	vst v63  }
0x337: {  	_ =	swait.ge [sflag:s7], $0x3E80  }
0x338: {  	s6 =	sld [smem:$0x7F6]  }
0x339: {  	[sflag:s7] =	ssyncset.done $0x0  }
0x33a: {  	[sflag:s7] =	ssyncadd.s32 $0xFFFFC180  }
0x33b: {  	[tilespmem:s16], [sflag:$0x5] =	stream.linear.gather [hbm4b:s6+s2], $0x3E80, $0x38;
	[tilespmem:$0x1F480] =	vst v63  }
0x33c: {  	_ =	swait.ge [sflag:s23], $0x3E80  }
0x33d: {  	s9 =	sld [smem:$0x7F7]  }
0x33e: {  	[sflag:s23] =	ssyncset.done $0x0  }
0x33f: {  	[sflag:s23] =	ssyncadd.s32 $0xFFFFC180  }
0x340: {  	[hbm4b:s9+s2] =	stream.linear.scatter [tilespmem:s25], [sflag:$0x9], $0x3E80, $0x38;
	[tilespmem:$0x1F480] =	vst v63  }
0x341: {  	_ =	swait.ge [sflag:s4], $0x3E80  }
0x342: {  	s11 =	sld [smem:$0x7F8]  }
0x343: {  	[sflag:s4] =	ssyncset.done $0x0  }
0x344: {  	[sflag:s4] =	ssyncadd.s32 $0xFFFFC180  }
0x345: {  	[tilespmem:s19], [sflag:$0x6] =	stream.linear.gather [hbm4b:s11+s2], $0x3E80, $0x38;
	[tilespmem:$0x1F480] =	vst v63  }
0x346: {  	_ =	swait.ge [sflag:s21], $0x3E80  }
0x347: {  	s23 =	sld [smem:$0x7F9]  }
0x348: {  	[sflag:s21] =	ssyncset.done $0x0  }
0x349: {  	[sflag:s21] =	ssyncadd.s32 $0xFFFFC180  }
0x34a: {  	[hbm4b:s23+s2] =	stream.linear.scatter [tilespmem:s24], [sflag:$0xA], $0x3E80, $0x38;
	[tilespmem:$0x1F480] =	vst v63  }
0x34b: {  	_ =	swait.ge [sflag:s20], $0x3E80  }
0x34c: {  	s25 =	sld [smem:$0x7FA]  }
0x34d: {  	[sflag:s20] =	ssyncset.done $0x0  }
0x34e: {  	[sflag:s20] =	ssyncadd.s32 $0xFFFFC180  }
0x34f: {  	[hbm4b:s25+s2] =	stream.linear.scatter [tilespmem:s22], [sflag:$0xB], $0x3E80, $0x38;
	[tilespmem:$0x1F480] =	vst v63  }
0x350: {  	_ =	swait.ge [sflag:s18], $0x3E80  }
0x351: {  	s29 =	sld [smem:$0x7FB]  }
0x352: {  	[sflag:s18] =	ssyncset.done $0x0  }
0x353: {  	[sflag:s18] =	ssyncadd.s32 $0xFFFFC180  }
0x354: {  	[hbm4b:s29+s2] =	stream.linear.scatter [tilespmem:s17], [sflag:$0xC], $0x3E80, $0x38;
	[tilespmem:$0x1F480] =	vst v63  }
0x355: {  	_ =	swait.ge [sflag:s15], $0x3E80  }
0x356: {  	s30 =	sld [smem:$0x7FC]  }
0x357: {  	[sflag:s15] =	ssyncset.done $0x0  }
0x358: {  	[sflag:s15] =	ssyncadd.s32 $0xFFFFC180  }
0x359: {  	[hbm4b:s30+s2] =	stream.linear.scatter [tilespmem:s16], [sflag:$0xD], $0x3E80, $0x38;
	[tilespmem:$0x1F480] =	vst v63  }
0x35a: {  	_ =	swait.ge [sflag:s13], $0x3E80  }
0x35b: {  	s31 =	sld [smem:$0x7FD]  }
0x35c: {  	[sflag:s13] =	ssyncset.done $0x0  }
0x35d: {  	[sflag:s13] =	ssyncadd.s32 $0xFFFFC180  }
0x35e: {  	[hbm4b:s31+s2] =	stream.linear.scatter [tilespmem:s19], [sflag:$0xE], $0x3E80, $0x38;
	[tilespmem:$0x1F480] =	vst v63  }
0x35f: {  	_ =	swait.ge [sflag:s5], $0x3E80  }
0x360: {  	[sflag:s5] =	ssyncset.done $0x0  }
0x361: {  	[sflag:s5] =	ssyncadd.s32 $0xFFFFC180  }
0x362: {  	_ =	swait.ge [sflag:s10], $0x3E80  }
0x363: {  	[sflag:s10] =	ssyncset.done $0x0  }
0x364: {  	[sflag:s10] =	ssyncadd.s32 $0xFFFFC180  }
0x365: {  	_ =	swait.ge [sflag:s8], $0x3E80  }
0x366: {  	[sflag:s8] =	ssyncset.done $0x0  }
0x367: {  	[sflag:s8] =	ssyncadd.s32 $0xFFFFC180  }
0x368: {  	_ =	swait.ge [sflag:s28], $0x3E80  }
0x369: {  	[sflag:s28] =	ssyncset.done $0x0  }
0x36a: {  	[sflag:s28] =	ssyncadd.s32 $0xFFFFC180  }
0x36b: {  	_ =	swait.ge [sflag:s26], $0x3E80  }
0x36c: {  	[sflag:s26] =	ssyncset.done $0x0  }
0x36d: {  	[sflag:s26] =	ssyncadd.s32 $0xFFFFC180  }
0x36e: {  	_ =	swait.ge [sflag:s3], $0x3E80  }
0x36f: {  	[sflag:s3] =	ssyncset.done $0x0  }
0x370: {  	[sflag:s3] =	ssyncadd.s32 $0xFFFFC180  }
0x371: {  	_ =	swait.ge [sflag:s7], $0x3E80  }
0x372: {  	[sflag:s7] =	ssyncset.done $0x0  }
0x373: {  	[sflag:s7] =	ssyncadd.s32 $0xFFFFC180  }
0x374: {  	_ =	swait.ge [sflag:s4], $0x3E80  }
0x375: {  	[sflag:s4] =	ssyncset.done $0x0  }
0x376: {  	[sflag:s4] =	ssyncadd.s32 $0xFFFFC180  }
0x377: {  	_ =	sfence.sel $0x180000  }
0x378: {  	[bflag:$0x0] =	sbarrier.arrive $0xFFFF  }
0x379: {  	p0 =	sne.s32 s12, $0x0;
	_ =	strace $0x90000047  }
0x37a: {  	s0 =	sadd.s32 @!p0 $0x100000, s14;
	[bflag:$0x2] =	sbarrier.arrive $0xFFFF  }
0x37b: {  	[sflag:s0] =	ssyncadd.tile.s32 @!p0 $0x1;
	_ =	shalt  }
.LBB2_1:
.Ltmp3:
0x37c: {  	(pc) =	sbr.rel .LBB2_6-.Ltmp3, $2  }
0x37d: {  	_ =	sdelay $0x2  }
0x37e: {  	s9 =	sld [smem:$0x7EF]  }
.LBB2_7:
.Ltmp4:
0x37f: {  	(pc) =	sbr.rel .LBB2_6-.Ltmp4, $3  }
0x380: {  	_ =	sdelay $0x1  }
0x381: {  	s9 =	sld [smem:$0x7EF]  }
0x382: {  	s12 =	stileid.u32;
	s14 =	rddreg [dreg:$0x5];
	s1 =	simm.s32 $0x11  }
.Lfunc_end2:
_tile_overlayer_lowered:
.L_overlay_start_2:
0x383: {  	(tag) =	ssettag $0x2  }
0x384: {  	s0 =	rddreg [dreg:$0x0];
	s2 =	stileid.u32  }
0x385: {  	s1 =	rddreg [dreg:$0x1];
	p0 =	sne.s32 s2, $0x0  }
0x386: {  	s3 =	rddreg [dreg:$0x2];
	[bflag:$0x3] =	sbarrier.arrive $0xFFFF;
	s2 =	simm.s32 @!p0 $0x1C11  }
0x387: {  	[timem:s3], [sflag:s2] =	dma.local @!p0 [hbm:s0], s1  }
0x388: {  	s0 =	simm.s32 @!p0 $0x11  }
0x389: {  	_ =	swait.ge @!p0 [sflag:s0], s1  }
0x38a: {  	s1 =	ssub.s32 @!p0 $0x0, s1;
	[sflag:s0] =	ssyncset.done @!p0 $0x0  }
0x38b: {  	[sflag:s0] =	ssyncadd.s32 @!p0 s1  }
0x38c: {  	[bflag:$0x3] =	sbarrier.arrive $0xFFFF  }
0x38d: {  	_ =	shalt  }

</sc_bundles>
